<compile_context>
chip_gen: v7x
topology: tpu7x:2x2x1
jax: 0.10.2.dev20260603
libtpu: 0.0.44.dev20260713+nightly
codegen_flags: <defaults>
</compile_context>

<pallas_src>
import jax
import jax.numpy as jnp
from jax import lax
from jax.experimental import pallas as pl
from jax.experimental.pallas import tpu as pltpu
from jax.experimental.pallas import tpu_sc as plsc

B = 16
T = 2048
DIN = 256
HID = 256
K = 16
TT = 2048
NT = T // TT
BIG = 3.0e38
L = 16
BPB = 4


def _score_body(feat, para, pW1a, pW1b, pb1, pW2, pb2, fWb, fb,
                fWa, emb, Wc, A, P, sb1, sW2, g, out, pconst, cblk,
                wcat, pcA):
    t = pl.program_id(0)
    b = pl.program_id(1)

    @pl.when((t == 0) & (b == 0))
    def _():
        pv = para[...]
        h1 = (pv[:, 0:1] * pW1a[...][None, :]
              + pv[:, 1:2] * pW1b[...][None, :]
              + pb1[...][None, :])
        pe = (jnp.dot(jnp.maximum(h1, 0.0), pW2[...],
                      preferred_element_type=jnp.float32)
              + pb2[...][None, :])
        pc = (jnp.dot(pe, fWb[...], preferred_element_type=jnp.float32)
              + fb[...][None, :])
        pconst[...] = pc
        wcat[:, :HID] = fWa[...]
        wcat[:, HID:] = jnp.dot(fWa[...], A[...],
                                preferred_element_type=jnp.float32)
        pcA[...] = jnp.dot(pc, A[...], preferred_element_type=jnp.float32)

    @pl.when(b == 0)
    def _():
        cblk[...] = (jnp.dot(emb[...], Wc[...],
                             preferred_element_type=jnp.float32)
                     + sb1[...][None, :])

    w = wcat[...]
    Pm = P[...]
    sw = sW2[...]
    NCH = 8
    CH = TT // NCH
    for bi in range(BPB):
        bg = b * BPB + bi
        pc = pconst[pl.ds(bg, 1), :]
        pca = pcA[pl.ds(bg, 1), :]
        for c in range(NCH):
            x = feat[bi, pl.ds(c * CH, CH), :]
            ec = emb[pl.ds(c * CH, CH), :]
            r = jnp.dot(x, w, preferred_element_type=jnp.float32)
            fpm = r[:, :HID] + pc
            prod = fpm * ec
            pre = (jnp.dot(prod, Pm, preferred_element_type=jnp.float32)
                   + r[:, HID:] + pca + cblk[pl.ds(c * CH, CH), :])
            h = jnp.maximum(pre, 0.0)
            s = jnp.sum(h * sw[None, :], axis=1)
            out[bi, 0, pl.ds(c * CH, CH)] = s + g[bi, 0, pl.ds(c * CH, CH)]


def _scores(feat_seq, para, pW1a, pW1b, pb1, pW2, pb2, fWb, fb,
            fWa, emb_pad, Wc, A, P, sb1, sW2v, g3):
    return pl.pallas_call(
        _score_body,
        grid=(NT, B // BPB),
        in_specs=[
            pl.BlockSpec((BPB, TT, DIN), lambda t, b: (b, t, 0)),
            pl.BlockSpec((B, 2), lambda t, b: (0, 0)),
            pl.BlockSpec((2 * HID,), lambda t, b: (0,)),
            pl.BlockSpec((2 * HID,), lambda t, b: (0,)),
            pl.BlockSpec((2 * HID,), lambda t, b: (0,)),
            pl.BlockSpec((2 * HID, HID), lambda t, b: (0, 0)),
            pl.BlockSpec((HID,), lambda t, b: (0,)),
            pl.BlockSpec((HID, HID), lambda t, b: (0, 0)),
            pl.BlockSpec((HID,), lambda t, b: (0,)),
            pl.BlockSpec((DIN, HID), lambda t, b: (0, 0)),
            pl.BlockSpec((TT, HID), lambda t, b: (t, 0)),
            pl.BlockSpec((HID, HID), lambda t, b: (0, 0)),
            pl.BlockSpec((HID, HID), lambda t, b: (0, 0)),
            pl.BlockSpec((HID, HID), lambda t, b: (0, 0)),
            pl.BlockSpec((HID,), lambda t, b: (0,)),
            pl.BlockSpec((HID,), lambda t, b: (0,)),
            pl.BlockSpec((BPB, 1, TT), lambda t, b: (b, 0, 0)),
        ],
        out_specs=pl.BlockSpec((BPB, 1, TT), lambda t, b: (b, 0, 0)),
        out_shape=jax.ShapeDtypeStruct((B * NT, 1, TT), jnp.float32),
        scratch_shapes=[pltpu.VMEM((B, HID), jnp.float32),
                        pltpu.VMEM((TT, HID), jnp.float32),
                        pltpu.VMEM((DIN, 2 * HID), jnp.float32),
                        pltpu.VMEM((B, HID), jnp.float32)],
    )(feat_seq, para, pW1a, pW1b, pb1, pW2, pb2, fWb, fb,
      fWa, emb_pad, Wc, A, P, sb1, sW2v, g3)


def _topk_body(y_hbm, out_hbm, yv, ov):
    c = lax.axis_index("c")
    s = lax.axis_index("s")
    row = c * 16 + s

    @pl.when(row < B)
    def _():
        pltpu.sync_copy(y_hbm.at[row], yv)
        lanes = lax.broadcasted_iota(jnp.int32, (L,), 0)
        neg = jnp.full((L,), -BIG, jnp.float32)
        zero = jnp.zeros((L,), jnp.int32)

        def body(i, carry):
            tk0, ti0, tk1, ti1 = carry
            v0 = yv[pl.ds((2 * i) * L, L)]
            v1 = yv[pl.ds((2 * i + 1) * L, L)]
            a0k, a0i = plsc.sort_key_val(v0, lanes + (2 * i) * L,
                                         descending=True)
            a1k, a1i = plsc.sort_key_val(v1, lanes + (2 * i + 1) * L,
                                         descending=True)
            m0 = tk0 >= a0k
            m1 = tk1 >= a1k
            s0 = plsc.sort_key_val(jnp.where(m0, tk0, a0k),
                                   jnp.where(m0, ti0, a0i))
            s1 = plsc.sort_key_val(jnp.where(m1, tk1, a1k),
                                   jnp.where(m1, ti1, a1i))
            return (s0[0], s0[1], s1[0], s1[1])

        tk0, ti0, tk1, ti1 = lax.fori_loop(0, T // (2 * L), body,
                                           (neg, zero, neg, zero))
        r1k, r1i = plsc.sort_key_val(tk1, ti1, descending=True)
        m = tk0 >= r1k
        mi = jnp.where(m, ti0, r1i)
        si, _ = plsc.sort_key_val(mi, mi)
        ov[...] = si
        pltpu.sync_copy(ov, out_hbm.at[row])


def _sc_topk(y):
    mesh = plsc.VectorSubcoreMesh(core_axis_name="c", subcore_axis_name="s")
    kern = pl.kernel(
        _topk_body,
        mesh=mesh,
        out_type=jax.ShapeDtypeStruct((B, K), jnp.int32),
        scratch_types=[pltpu.VMEM((T,), jnp.float32),
                       pltpu.VMEM((K,), jnp.int32)],
        compiler_params=pltpu.CompilerParams(needs_layout_passes=False),
    )
    return kern(y)


def kernel(feat_seq, para, pW1, pb1, pW2, pb2, fW, fb, emb_table, sW1, sb1, sW2, sb2):
    pW1a = pW1[0]
    pW1b = pW1[1]
    fWa = fW[:DIN]
    fWb = fW[DIN:]
    A = sW1[0:HID] + sW1[2 * HID:3 * HID]
    Wc = sW1[HID:2 * HID] - sW1[2 * HID:3 * HID]
    P = sW1[3 * HID:4 * HID] + sW1[4 * HID:4 * HID + 1]
    emb_pad = jnp.pad(emb_table, ((1, 1), (0, 0)))
    g = jax.random.gumbel(jax.random.key(42), (B, T - 2), jnp.float32)
    g3 = jnp.pad(g + sb2[0], ((0, 0), (1, 1)),
                 constant_values=BIG).reshape(B * NT, 1, TT)
    sW2v = sW2[:, 0]

    y3 = _scores(feat_seq, para, pW1a, pW1b, pb1, pW2, pb2, fWb, fb,
                 fWa, emb_pad, Wc, A, P, sb1, sW2v, g3)
    return _sc_topk(y3.reshape(B, T))

# --- scband reference (transcript-rebuilt; emitter-appended) ---
"""Pipeline reference for scband-gumbel-selector-11802570129603 (READ-ONLY COPY).

The authoritative reference and input builder live on the scoring server;
editing this copy changes nothing except your own understanding.
"""

import jax, jax.numpy as jnp
import numpy as np

B = 16
T = 2048
DIN = 256
HID = 256
K = 16
TAU = 1.0


def _mlp(x, W1, b1, W2, b2):
    return jnp.maximum(x @ W1 + b1, 0.0) @ W2 + b2


def setup_inputs(seed: int = 0) -> dict:
    key = jax.random.key(seed)
    ks = jax.random.split(key, 16)
    feat_seq = jax.random.normal(ks[0], (B, T, DIN), dtype=jnp.float32)
    para = jax.random.normal(ks[1], (B, 2), dtype=jnp.float32)
    # para_emb MLP: 2 -> 2*HID -> HID
    pW1 = jax.random.normal(ks[2], (2, 2 * HID), dtype=jnp.float32) * 0.02
    pb1 = jnp.zeros((2 * HID,), dtype=jnp.float32)
    pW2 = jax.random.normal(ks[3], (2 * HID, HID), dtype=jnp.float32) * 0.02
    pb2 = jnp.zeros((HID,), dtype=jnp.float32)
    # feat_proj LazyLinear: (DIN+HID) -> HID
    fW = jax.random.normal(ks[4], (DIN + HID, HID), dtype=jnp.float32) * 0.02
    fb = jnp.zeros((HID,), dtype=jnp.float32)
    # learned frame embedding table (T-2, HID)
    emb_table = jax.random.normal(ks[5], (T - 2, HID), dtype=jnp.float32) * 0.02
    # score MLP: (4*HID+1) -> HID -> 1
    sW1 = jax.random.normal(ks[6], (4 * HID + 1, HID), dtype=jnp.float32) * 0.02
    sb1 = jnp.zeros((HID,), dtype=jnp.float32)
    sW2 = jax.random.normal(ks[7], (HID, 1), dtype=jnp.float32) * 0.02
    sb2 = jnp.zeros((1,), dtype=jnp.float32)
    return {
        "feat_seq": feat_seq, "para": para,
        "pW1": pW1, "pb1": pb1, "pW2": pW2, "pb2": pb2,
        "fW": fW, "fb": fb, "emb_table": emb_table,
        "sW1": sW1, "sb1": sb1, "sW2": sW2, "sb2": sb2,
    }


def reference(feat_seq, para, pW1, pb1, pW2, pb2, fW, fb, emb_table, sW1, sb1, sW2, sb2):
    Bn, Tn, _ = feat_seq.shape
    pe = _mlp(para, pW1, pb1, pW2, pb2)  # (B, HID)
    feat_cat = jnp.concatenate(
        [feat_seq, jnp.broadcast_to(pe[:, None, :], (Bn, Tn, pe.shape[-1]))], axis=-1)
    fp = feat_cat @ fW + fb  # (B, T, HID)
    mid = fp[:, 1:-1, :]  # (B, T-2, HID)
    emb = jnp.broadcast_to(emb_table[None, :, :], mid.shape)
    dot = jnp.sum(mid * emb, axis=-1, keepdims=True)
    diff = mid - emb
    prod = mid * emb
    feat_mix = jnp.concatenate([mid, emb, diff, prod, dot], axis=-1)  # (B, T-2, 4*HID+1)
    scores = _mlp(feat_mix, sW1, sb1, sW2, sb2)[..., 0]  # (B, T-2)
    # gumbel_topk: g = -log(Exp(1)) is standard Gumbel noise
    g = jax.random.gumbel(jax.random.key(42), scores.shape, dtype=scores.dtype)
    y = (scores + g) / TAU
    sel_mid = jax.lax.top_k(y, K - 2)[1].astype(jnp.int32)  # (B, K-2)
    idx = jnp.concatenate(
        [jnp.zeros((Bn, 1), dtype=jnp.int32),
         sel_mid + 1,
         jnp.full((Bn, 1), Tn - 1, dtype=jnp.int32)], axis=1)
    idx = jnp.sort(idx, axis=1)
    return idx

if __name__ == "__main__":
    import jax
    _d = setup_inputs()
    print(jax.jit(kernel)(*tuple(_d.values())))

</pallas_src>

<mosaic_0001>
#map = affine_map<(d0, d1) -> (0, 0)>
module attributes {stable_mosaic.version = 14 : i64} {
  func.func @_topk_body(%arg0: i32, %arg1: i32, %arg2: memref<16x2048xf32, #tpu.memory_space<hbm>>, %arg3: memref<16x16xi32, #tpu.memory_space<hbm>>, %arg4: memref<2048xf32, #tpu.memory_space<vmem>>, %arg5: memref<16xi32, #tpu.memory_space<vmem>>) attributes {dimension_semantics = [#tpu.dimension_semantics<core_parallel>, #tpu.dimension_semantics<subcore_parallel>], iteration_bounds = array<i64: 2, 16>, scalar_prefetch = 0 : i64, scratch_operands = 2 : i64, tpu.core_type = #tpu.core_type<sc_vector_subcore>, window_params = [{transform_indices = #map}, {transform_indices = #map}]} {
    %mul3A = arith.constant 16 : i32
    %mul3A_0 = arith.muli %arg0, %mul3A : i32
    %add3A = arith.addi %mul3A_0, %arg1 : i32
    %lt3A = arith.constant 16 : i32
    %lt3A_1 = arith.cmpi slt, %add3A, %lt3A : i32
    %convert_element_type3A = arith.extui %lt3A_1 : i1 to i32
    %cond3A = arith.constant 0 : i32
    %cond3A_2 = arith.cmpi ne, %convert_element_type3A, %cond3A : i32
    scf.if %cond3A_2 {
      "tpu.region"() ({
        %run_scoped3A = tpu.sem_alloc : memref<!tpu.dma_semaphore, #tpu.memory_space<semaphore_mem>>
        %dma_start3A = arith.constant 0 : i32
        %dma_start3A_23 = tpu.memref_slice %arg2[%add3A, %dma_start3A] : memref<16x2048xf32, #tpu.memory_space<hbm>> -> memref<1x2048xf32, #tpu.memory_space<hbm>>
        %dma_start3A_24 = tpu.memref_squeeze %dma_start3A_23 : memref<1x2048xf32, #tpu.memory_space<hbm>> -> memref<2048xf32, #tpu.memory_space<hbm>>
        %dma_start3A_25 = arith.constant 0 : i32
        %dma_start3A_26 = tpu.memref_slice %arg2[%add3A, %dma_start3A_25] : memref<16x2048xf32, #tpu.memory_space<hbm>> -> memref<1x2048xf32, #tpu.memory_space<hbm>>
        %dma_start3A_27 = tpu.memref_squeeze %dma_start3A_26 : memref<1x2048xf32, #tpu.memory_space<hbm>> -> memref<2048xf32, #tpu.memory_space<hbm>>
        tpu.enqueue_dma source(%dma_start3A_27 : memref<2048xf32, #tpu.memory_space<hbm>>) target(%arg4 : memref<2048xf32, #tpu.memory_space<vmem>>) target_semaphore(%run_scoped3A : memref<!tpu.dma_semaphore, #tpu.memory_space<semaphore_mem>>)
        %dma_wait3A = arith.constant 0 : i32
        %dma_wait3A_28 = tpu.memref_slice %arg2[%add3A, %dma_wait3A] : memref<16x2048xf32, #tpu.memory_space<hbm>> -> memref<1x2048xf32, #tpu.memory_space<hbm>>
        %dma_wait3A_29 = tpu.memref_squeeze %dma_wait3A_28 : memref<1x2048xf32, #tpu.memory_space<hbm>> -> memref<2048xf32, #tpu.memory_space<hbm>>
        %dma_wait3A_30 = arith.constant 0 : i32
        %dma_wait3A_31 = tpu.memref_slice %arg2[%add3A, %dma_wait3A_30] : memref<16x2048xf32, #tpu.memory_space<hbm>> -> memref<1x2048xf32, #tpu.memory_space<hbm>>
        %dma_wait3A_32 = tpu.memref_squeeze %dma_wait3A_31 : memref<1x2048xf32, #tpu.memory_space<hbm>> -> memref<2048xf32, #tpu.memory_space<hbm>>
        tpu.wait_dma2 semaphore(%run_scoped3A : memref<!tpu.dma_semaphore, #tpu.memory_space<semaphore_mem>>) src(%dma_wait3A_32 : memref<2048xf32, #tpu.memory_space<hbm>>) dst(%arg4 : memref<2048xf32, #tpu.memory_space<vmem>>)
        tpu.yield
      }) : () -> ()
      %iota3A = tpu.iota {dimensions = array<i32: 0>} : vector<16xi32>
      %broadcast_in_dim3A = arith.constant -3.000000e+38 : f32
      %broadcast_in_dim3A_3 = vector.broadcast %broadcast_in_dim3A : f32 to vector<16xf32>
      %broadcast_in_dim3A_4 = arith.constant 0 : i32
      %broadcast_in_dim3A_5 = vector.broadcast %broadcast_in_dim3A_4 : i32 to vector<16xi32>
      %scan3A = arith.constant 0 : i32
      %scan3A_6 = arith.constant 64 : i32
      %scan3A_7 = arith.addi %scan3A, %scan3A_6 : i32
      %scan3A_8 = arith.constant 1 : i32
      %scan3A_9:4 = scf.for %scan3A_23 = %scan3A to %scan3A_7 step %scan3A_8 iter_args(%scan3A_24 = %broadcast_in_dim3A_3, %scan3A_25 = %broadcast_in_dim3A_5, %scan3A_26 = %broadcast_in_dim3A_3, %scan3A_27 = %broadcast_in_dim3A_5) -> (vector<16xf32>, vector<16xi32>, vector<16xf32>, vector<16xi32>)  : i32 {
        %mul3A_28 = arith.constant 2 : i32
        %mul3A_29 = arith.muli %mul3A_28, %scan3A_23 : i32
        %mul3A_30 = arith.constant 16 : i32
        %mul3A_31 = arith.muli %mul3A_29, %mul3A_30 : i32
        %get3A = arith.index_cast %mul3A_31 : i32 to index
        %get3A_32 = tpu.vector_load %arg4[%get3A] {strides = array<i32>} : memref<2048xf32, #tpu.memory_space<vmem>>, vector<16xf32>,
        %mul3A_33 = arith.constant 2 : i32
        %mul3A_34 = arith.muli %mul3A_33, %scan3A_23 : i32
        %add3A_35 = arith.constant 1 : i32
        %add3A_36 = arith.addi %mul3A_34, %add3A_35 : i32
        %mul3A_37 = arith.constant 16 : i32
        %mul3A_38 = arith.muli %add3A_36, %mul3A_37 : i32
        %get3A_39 = arith.index_cast %mul3A_38 : i32 to index
        %get3A_40 = tpu.vector_load %arg4[%get3A_39] {strides = array<i32>} : memref<2048xf32, #tpu.memory_space<vmem>>, vector<16xf32>,
        %mul3A_41 = arith.constant 2 : i32
        %mul3A_42 = arith.muli %mul3A_41, %scan3A_23 : i32
        %mul3A_43 = arith.constant 16 : i32
        %mul3A_44 = arith.muli %mul3A_42, %mul3A_43 : i32
        %add3A_45 = vector.broadcast %mul3A_44 : i32 to vector<16xi32>
        %add3A_46 = arith.addi %iota3A, %add3A_45 : vector<16xi32>
        %masked_sort3A_47 = arith.constant dense<true> : vector<16xi1>
        %masked_sort3A_48, %masked_sort3A_49, %masked_sort3A_50 = tpu.sort %get3A_32, %add3A_46 masked %masked_sort3A_47 {descending = true} : (vector<16xf32>, vector<16xi32>, vector<16xi1>) -> (vector<16xi1>, vector<16xf32>, vector<16xi32>)
        %mul3A_51 = arith.constant 2 : i32
        %mul3A_52 = arith.muli %mul3A_51, %scan3A_23 : i32
        %add3A_53 = arith.constant 1 : i32
        %add3A_54 = arith.addi %mul3A_52, %add3A_53 : i32
        %mul3A_55 = arith.constant 16 : i32
        %mul3A_56 = arith.muli %add3A_54, %mul3A_55 : i32
        %add3A_57 = vector.broadcast %mul3A_56 : i32 to vector<16xi32>
        %add3A_58 = arith.addi %iota3A, %add3A_57 : vector<16xi32>
        %masked_sort3A_59 = arith.constant dense<true> : vector<16xi1>
        %masked_sort3A_60, %masked_sort3A_61, %masked_sort3A_62 = tpu.sort %get3A_40, %add3A_58 masked %masked_sort3A_59 {descending = true} : (vector<16xf32>, vector<16xi32>, vector<16xi1>) -> (vector<16xi1>, vector<16xf32>, vector<16xi32>)
        %ge3A_63 = arith.cmpf oge, %scan3A_24, %masked_sort3A_49 : vector<16xf32>
        %ge3A_64 = arith.cmpf oge, %scan3A_26, %masked_sort3A_61 : vector<16xf32>
        %select_n3A_65 = arith.select %ge3A_63, %scan3A_24, %masked_sort3A_49 : vector<16xi1>, vector<16xf32>
        %select_n3A_66 = arith.select %ge3A_63, %scan3A_25, %masked_sort3A_50 : vector<16xi1>, vector<16xi32>
        %masked_sort3A_67 = arith.constant dense<true> : vector<16xi1>
        %masked_sort3A_68, %masked_sort3A_69, %masked_sort3A_70 = tpu.sort %select_n3A_65, %select_n3A_66 masked %masked_sort3A_67 : (vector<16xf32>, vector<16xi32>, vector<16xi1>) -> (vector<16xi1>, vector<16xf32>, vector<16xi32>)
        %select_n3A_71 = arith.select %ge3A_64, %scan3A_26, %masked_sort3A_61 : vector<16xi1>, vector<16xf32>
        %select_n3A_72 = arith.select %ge3A_64, %scan3A_27, %masked_sort3A_62 : vector<16xi1>, vector<16xi32>
        %masked_sort3A_73 = arith.constant dense<true> : vector<16xi1>
        %masked_sort3A_74, %masked_sort3A_75, %masked_sort3A_76 = tpu.sort %select_n3A_71, %select_n3A_72 masked %masked_sort3A_73 : (vector<16xf32>, vector<16xi32>, vector<16xi1>) -> (vector<16xi1>, vector<16xf32>, vector<16xi32>)
        scf.yield %masked_sort3A_69, %masked_sort3A_70, %masked_sort3A_75, %masked_sort3A_76 : vector<16xf32>, vector<16xi32>, vector<16xf32>, vector<16xi32>
      }
      %scan3A_10 = arith.constant 64 : i32
      %masked_sort3A = arith.constant dense<true> : vector<16xi1>
      %masked_sort3A_11, %masked_sort3A_12, %masked_sort3A_13 = tpu.sort %scan3A_9#2, %scan3A_9#3 masked %masked_sort3A {descending = true} : (vector<16xf32>, vector<16xi32>, vector<16xi1>) -> (vector<16xi1>, vector<16xf32>, vector<16xi32>)
      %ge3A = arith.cmpf oge, %scan3A_9#0, %masked_sort3A_12 : vector<16xf32>
      %select_n3A = arith.select %ge3A, %scan3A_9#1, %masked_sort3A_13 : vector<16xi1>, vector<16xi32>
      %masked_sort3A_14 = arith.constant dense<true> : vector<16xi1>
      %masked_sort3A_15 = arith.constant -2147483648 : i32
      %masked_sort3A_16 = vector.broadcast %masked_sort3A_15 : i32 to vector<16xi32>
      %masked_sort3A_17 = arith.xori %select_n3A, %masked_sort3A_16 : vector<16xi32>
      %masked_sort3A_18, %masked_sort3A_19, %masked_sort3A_20 = tpu.sort %masked_sort3A_17, %select_n3A masked %masked_sort3A_14 : (vector<16xi32>, vector<16xi32>, vector<16xi1>) -> (vector<16xi1>, vector<16xi32>, vector<16xi32>)
      %masked_sort3A_21 = arith.xori %masked_sort3A_19, %masked_sort3A_16 : vector<16xi32>
      %swap3A = arith.constant 0 : index
      %swap3A_22 = tpu.vector_load %arg5[%swap3A] {strides = array<i32>} : memref<16xi32, #tpu.memory_space<vmem>>, vector<16xi32>,
      tpu.vector_store %arg5[%swap3A], %masked_sort3A_21 {strides = array<i32>} : memref<16xi32, #tpu.memory_space<vmem>>, vector<16xi32>,
      "tpu.region"() ({
        %run_scoped3A = tpu.sem_alloc : memref<!tpu.dma_semaphore, #tpu.memory_space<semaphore_mem>>
        %dma_start3A = arith.constant 0 : i32
        %dma_start3A_23 = tpu.memref_slice %arg3[%add3A, %dma_start3A] : memref<16x16xi32, #tpu.memory_space<hbm>> -> memref<1x16xi32, #tpu.memory_space<hbm>>
        %dma_start3A_24 = tpu.memref_squeeze %dma_start3A_23 : memref<1x16xi32, #tpu.memory_space<hbm>> -> memref<16xi32, #tpu.memory_space<hbm>>
        %dma_start3A_25 = arith.constant 0 : i32
        %dma_start3A_26 = tpu.memref_slice %arg3[%add3A, %dma_start3A_25] : memref<16x16xi32, #tpu.memory_space<hbm>> -> memref<1x16xi32, #tpu.memory_space<hbm>>
        %dma_start3A_27 = tpu.memref_squeeze %dma_start3A_26 : memref<1x16xi32, #tpu.memory_space<hbm>> -> memref<16xi32, #tpu.memory_space<hbm>>
        tpu.enqueue_dma source(%arg5 : memref<16xi32, #tpu.memory_space<vmem>>) target(%dma_start3A_27 : memref<16xi32, #tpu.memory_space<hbm>>) target_semaphore(%run_scoped3A : memref<!tpu.dma_semaphore, #tpu.memory_space<semaphore_mem>>)
        %dma_wait3A = arith.constant 0 : i32
        %dma_wait3A_28 = tpu.memref_slice %arg3[%add3A, %dma_wait3A] : memref<16x16xi32, #tpu.memory_space<hbm>> -> memref<1x16xi32, #tpu.memory_space<hbm>>
        %dma_wait3A_29 = tpu.memref_squeeze %dma_wait3A_28 : memref<1x16xi32, #tpu.memory_space<hbm>> -> memref<16xi32, #tpu.memory_space<hbm>>
        %dma_wait3A_30 = arith.constant 0 : i32
        %dma_wait3A_31 = tpu.memref_slice %arg3[%add3A, %dma_wait3A_30] : memref<16x16xi32, #tpu.memory_space<hbm>> -> memref<1x16xi32, #tpu.memory_space<hbm>>
        %dma_wait3A_32 = tpu.memref_squeeze %dma_wait3A_31 : memref<1x16xi32, #tpu.memory_space<hbm>> -> memref<16xi32, #tpu.memory_space<hbm>>
        tpu.wait_dma2 semaphore(%run_scoped3A : memref<!tpu.dma_semaphore, #tpu.memory_space<semaphore_mem>>) src(%arg5 : memref<16xi32, #tpu.memory_space<vmem>>) dst(%dma_wait3A_32 : memref<16xi32, #tpu.memory_space<hbm>>)
        tpu.yield
      }) : () -> ()
    } else {
    }
    return
  }
}

module attributes {stable_mosaic.version = 14 : i64} {
  func.func @_score_body(%arg0: i32, %arg1: i32, %arg2: memref<4x2048x256xf32, #tpu.memory_space<vmem>>, %arg3: memref<16x2xf32, #tpu.memory_space<vmem>>, %arg4: memref<512xf32, #tpu.memory_space<vmem>>, %arg5: memref<512xf32, #tpu.memory_space<vmem>>, %arg6: memref<512xf32, #tpu.memory_space<vmem>>, %arg7: memref<512x256xf32, #tpu.memory_space<vmem>>, %arg8: memref<256xf32, #tpu.memory_space<vmem>>, %arg9: memref<256x256xf32, #tpu.memory_space<vmem>>, %arg10: memref<256xf32, #tpu.memory_space<vmem>>, %arg11: memref<256x256xf32, #tpu.memory_space<vmem>>, %arg12: memref<2048x256xf32, #tpu.memory_space<vmem>>, %arg13: memref<256x256xf32, #tpu.memory_space<vmem>>, %arg14: memref<256x256xf32, #tpu.memory_space<vmem>>, %arg15: memref<256x256xf32, #tpu.memory_space<vmem>>, %arg16: memref<256xf32, #tpu.memory_space<vmem>>, %arg17: memref<256xf32, #tpu.memory_space<vmem>>, %arg18: memref<4x1x2048xf32, #tpu.memory_space<vmem>>, %arg19: memref<4x1x2048xf32, #tpu.memory_space<vmem>>, %arg20: memref<16x256xf32, #tpu.memory_space<vmem>>, %arg21: memref<2048x256xf32, #tpu.memory_space<vmem>>, %arg22: memref<256x512xf32, #tpu.memory_space<vmem>>, %arg23: memref<16x256xf32, #tpu.memory_space<vmem>>) attributes {dimension_semantics = [#tpu.dimension_semantics<arbitrary>, #tpu.dimension_semantics<arbitrary>], iteration_bounds = array<i64: 1, 4>, scalar_prefetch = 0 : i64, scratch_operands = 4 : i64, tpu.core_type = #tpu.core_type<tc>, window_params = [{transform_indices = @transform_0, window_bounds = array<i64: 4, 2048, 256>}, {pipeline_mode = #tpu.pipeline_mode<synchronous>, transform_indices = @transform_1, window_bounds = array<i64: 16, 2>}, {pipeline_mode = #tpu.pipeline_mode<synchronous>, transform_indices = @transform_2, window_bounds = array<i64: 512>}, {pipeline_mode = #tpu.pipeline_mode<synchronous>, transform_indices = @transform_3, window_bounds = array<i64: 512>}, {pipeline_mode = #tpu.pipeline_mode<synchronous>, transform_indices = @transform_4, window_bounds = array<i64: 512>}, {pipeline_mode = #tpu.pipeline_mode<synchronous>, transform_indices = @transform_5, window_bounds = array<i64: 512, 256>}, {pipeline_mode = #tpu.pipeline_mode<synchronous>, transform_indices = @transform_6, window_bounds = array<i64: 256>}, {pipeline_mode = #tpu.pipeline_mode<synchronous>, transform_indices = @transform_7, window_bounds = array<i64: 256, 256>}, {pipeline_mode = #tpu.pipeline_mode<synchronous>, transform_indices = @transform_8, window_bounds = array<i64: 256>}, {pipeline_mode = #tpu.pipeline_mode<synchronous>, transform_indices = @transform_9, window_bounds = array<i64: 256, 256>}, {transform_indices = @transform_10, window_bounds = array<i64: 2048, 256>}, {pipeline_mode = #tpu.pipeline_mode<synchronous>, transform_indices = @transform_11, window_bounds = array<i64: 256, 256>}, {pipeline_mode = #tpu.pipeline_mode<synchronous>, transform_indices = @transform_12, window_bounds = array<i64: 256, 256>}, {pipeline_mode = #tpu.pipeline_mode<synchronous>, transform_indices = @transform_13, window_bounds = array<i64: 256, 256>}, {pipeline_mode = #tpu.pipeline_mode<synchronous>, transform_indices = @transform_14, window_bounds = array<i64: 256>}, {pipeline_mode = #tpu.pipeline_mode<synchronous>, transform_indices = @transform_15, window_bounds = array<i64: 256>}, {transform_indices = @transform_16, window_bounds = array<i64: 4, 1, 2048>}, {transform_indices = @transform_17, window_bounds = array<i64: 4, 1, 2048>}]} {
    %eq3A = arith.constant 0 : i32
    %eq3A_0 = arith.cmpi eq, %arg0, %eq3A : i32
    %eq3A_1 = arith.constant 0 : i32
    %eq3A_2 = arith.cmpi eq, %arg1, %eq3A_1 : i32
    %and3A = arith.andi %eq3A_0, %eq3A_2 : i1
    %convert_element_type3A = arith.extui %and3A : i1 to i32
    %cond3A = arith.constant 0 : i32
    %cond3A_3 = arith.cmpi ne, %convert_element_type3A, %cond3A : i32
    scf.if %cond3A_3 {
      %get3A_1456 = arith.constant 0 : index
      %get3A_1457 = arith.constant 0 : index
      %get3A_1458 = vector.load %arg3[%get3A_1456, %get3A_1457] : memref<16x2xf32, #tpu.memory_space<vmem>>, vector<16x2xf32>
      %slice3A_1459 = vector.extract_strided_slice %get3A_1458 {offsets = [0, 0], sizes = [16, 1], strides = [1, 1]} : vector<16x2xf32> to vector<16x1xf32>
      %get3A_1460 = arith.constant 0 : index
      %get3A_1461 = vector.load %arg4[%get3A_1460] : memref<512xf32, #tpu.memory_space<vmem>>, vector<512xf32>
      %broadcast_in_dim3A_1462 = vector.shape_cast %get3A_1461 : vector<512xf32> to vector<1x512xf32>
      %mul3A_1463 = vector.broadcast %slice3A_1459 : vector<16x1xf32> to vector<16x512xf32>
      %mul3A_1464 = vector.broadcast %broadcast_in_dim3A_1462 : vector<1x512xf32> to vector<16x512xf32>
      %mul3A_1465 = arith.mulf %mul3A_1463, %mul3A_1464 : vector<16x512xf32>
      %slice3A_1466 = vector.extract_strided_slice %get3A_1458 {offsets = [0, 1], sizes = [16, 1], strides = [1, 1]} : vector<16x2xf32> to vector<16x1xf32>
      %get3A_1467 = arith.constant 0 : index
      %get3A_1468 = vector.load %arg5[%get3A_1467] : memref<512xf32, #tpu.memory_space<vmem>>, vector<512xf32>
      %broadcast_in_dim3A_1469 = vector.shape_cast %get3A_1468 : vector<512xf32> to vector<1x512xf32>
      %mul3A_1470 = vector.broadcast %slice3A_1466 : vector<16x1xf32> to vector<16x512xf32>
      %mul3A_1471 = vector.broadcast %broadcast_in_dim3A_1469 : vector<1x512xf32> to vector<16x512xf32>
      %mul3A_1472 = arith.mulf %mul3A_1470, %mul3A_1471 : vector<16x512xf32>
      %add3A_1473 = arith.addf %mul3A_1465, %mul3A_1472 : vector<16x512xf32>
      %get3A_1474 = arith.constant 0 : index
      %get3A_1475 = vector.load %arg6[%get3A_1474] : memref<512xf32, #tpu.memory_space<vmem>>, vector<512xf32>
      %broadcast_in_dim3A_1476 = vector.shape_cast %get3A_1475 : vector<512xf32> to vector<1x512xf32>
      %add3A_1477 = vector.broadcast %broadcast_in_dim3A_1476 : vector<1x512xf32> to vector<16x512xf32>
      %add3A_1478 = arith.addf %add3A_1473, %add3A_1477 : vector<16x512xf32>
      %max3A_1479 = arith.constant 0.000000e+00 : f32
      %max3A_1480 = vector.broadcast %max3A_1479 : f32 to vector<16x512xf32>
      %max3A_1481 = arith.maximumf %add3A_1478, %max3A_1480 : vector<16x512xf32>
      %get3A_1482 = arith.constant 0 : index
      %get3A_1483 = arith.constant 0 : index
      %get3A_1484 = vector.load %arg7[%get3A_1482, %get3A_1483] : memref<512x256xf32, #tpu.memory_space<vmem>>, vector<512x256xf32>
      %dot_general3A_1485 = arith.constant dense<0.000000e+00> : vector<16x256xf32>
      %dot_general3A_1486 = tpu.matmul %max3A_1481, %get3A_1484, %dot_general3A_1485 {dimension_numbers = #tpu.dot_dimension_numbers<[1], [0], [0], [1], [0, 0, 1, 1], [], []>, transpose_lhs_hint = false} : vector<16x512xf32>, vector<512x256xf32>, vector<16x256xf32> -> vector<16x256xf32>
      %get3A_1487 = arith.constant 0 : index
      %get3A_1488 = vector.load %arg8[%get3A_1487] : memref<256xf32, #tpu.memory_space<vmem>>, vector<256xf32>
      %broadcast_in_dim3A_1489 = vector.shape_cast %get3A_1488 : vector<256xf32> to vector<1x256xf32>
      %add3A_1490 = vector.broadcast %broadcast_in_dim3A_1489 : vector<1x256xf32> to vector<16x256xf32>
      %add3A_1491 = arith.addf %dot_general3A_1486, %add3A_1490 : vector<16x256xf32>
      %get3A_1492 = arith.constant 0 : index
      %get3A_1493 = arith.constant 0 : index
      %get3A_1494 = vector.load %arg9[%get3A_1492, %get3A_1493] : memref<256x256xf32, #tpu.memory_space<vmem>>, vector<256x256xf32>
      %dot_general3A_1495 = arith.constant dense<0.000000e+00> : vector<16x256xf32>
      %dot_general3A_1496 = tpu.matmul %add3A_1491, %get3A_1494, %dot_general3A_1495 {dimension_numbers = #tpu.dot_dimension_numbers<[1], [0], [0], [1], [0, 0, 1, 1], [], []>, transpose_lhs_hint = false} : vector<16x256xf32>, vector<256x256xf32>, vector<16x256xf32> -> vector<16x256xf32>
      %get3A_1497 = arith.constant 0 : index
      %get3A_1498 = vector.load %arg10[%get3A_1497] : memref<256xf32, #tpu.memory_space<vmem>>, vector<256xf32>
      %broadcast_in_dim3A_1499 = vector.shape_cast %get3A_1498 : vector<256xf32> to vector<1x256xf32>
      %add3A_1500 = vector.broadcast %broadcast_in_dim3A_1499 : vector<1x256xf32> to vector<16x256xf32>
      %add3A_1501 = arith.addf %dot_general3A_1496, %add3A_1500 : vector<16x256xf32>
      %swap3A_1502 = arith.constant 0 : index
      %swap3A_1503 = arith.constant 0 : index
      %swap3A_1504 = vector.load %arg20[%swap3A_1502, %swap3A_1503] : memref<16x256xf32, #tpu.memory_space<vmem>>, vector<16x256xf32>
      tpu.vector_store %arg20[%swap3A_1502, %swap3A_1503], %add3A_1501 {strides = array<i32>} : memref<16x256xf32, #tpu.memory_space<vmem>>, vector<16x256xf32>,
      %get3A_1505 = arith.constant 0 : index
      %get3A_1506 = arith.constant 0 : index
      %get3A_1507 = vector.load %arg11[%get3A_1505, %get3A_1506] : memref<256x256xf32, #tpu.memory_space<vmem>>, vector<256x256xf32>
      %swap3A_1508 = arith.constant 0 : index
      %swap3A_1509 = arith.constant 0 : index
      %swap3A_1510 = vector.load %arg22[%swap3A_1508, %swap3A_1509] : memref<256x512xf32, #tpu.memory_space<vmem>>, vector<256x256xf32>
      tpu.vector_store %arg22[%swap3A_1508, %swap3A_1509], %get3A_1507 {strides = array<i32>} : memref<256x512xf32, #tpu.memory_space<vmem>>, vector<256x256xf32>,
      %get3A_1511 = arith.constant 0 : index
      %get3A_1512 = arith.constant 0 : index
      %get3A_1513 = vector.load %arg11[%get3A_1511, %get3A_1512] : memref<256x256xf32, #tpu.memory_space<vmem>>, vector<256x256xf32>
      %get3A_1514 = arith.constant 0 : index
      %get3A_1515 = arith.constant 0 : index
      %get3A_1516 = vector.load %arg14[%get3A_1514, %get3A_1515] : memref<256x256xf32, #tpu.memory_space<vmem>>, vector<256x256xf32>
      %dot_general3A_1517 = arith.constant dense<0.000000e+00> : vector<256x256xf32>
      %dot_general3A_1518 = tpu.matmul %get3A_1513, %get3A_1516, %dot_general3A_1517 {dimension_numbers = #tpu.dot_dimension_numbers<[1], [0], [0], [1], [0, 0, 1, 1], [], []>, transpose_lhs_hint = false} : vector<256x256xf32>, vector<256x256xf32>, vector<256x256xf32> -> vector<256x256xf32>
      %swap3A_1519 = arith.constant 0 : index
      %swap3A_1520 = arith.constant 256 : index
      %swap3A_1521 = vector.load %arg22[%swap3A_1519, %swap3A_1520] : memref<256x512xf32, #tpu.memory_space<vmem>>, vector<256x256xf32>
      tpu.vector_store %arg22[%swap3A_1519, %swap3A_1520], %dot_general3A_1518 {strides = array<i32>} : memref<256x512xf32, #tpu.memory_space<vmem>>, vector<256x256xf32>,
      %get3A_1522 = arith.constant 0 : index
      %get3A_1523 = arith.constant 0 : index
      %get3A_1524 = vector.load %arg14[%get3A_1522, %get3A_1523] : memref<256x256xf32, #tpu.memory_space<vmem>>, vector<256x256xf32>
      %dot_general3A_1525 = arith.constant dense<0.000000e+00> : vector<16x256xf32>
      %dot_general3A_1526 = tpu.matmul %add3A_1501, %get3A_1524, %dot_general3A_1525 {dimension_numbers = #tpu.dot_dimension_numbers<[1], [0], [0], [1], [0, 0, 1, 1], [], []>, transpose_lhs_hint = false} : vector<16x256xf32>, vector<256x256xf32>, vector<16x256xf32> -> vector<16x256xf32>
      %swap3A_1527 = arith.constant 0 : index
      %swap3A_1528 = arith.constant 0 : index
      %swap3A_1529 = vector.load %arg23[%swap3A_1527, %swap3A_1528] : memref<16x256xf32, #tpu.memory_space<vmem>>, vector<16x256xf32>
      tpu.vector_store %arg23[%swap3A_1527, %swap3A_1528], %dot_general3A_1526 {strides = array<i32>} : memref<16x256xf32, #tpu.memory_space<vmem>>, vector<16x256xf32>,
    } else {
    }
    %eq3A_4 = arith.constant 0 : i32
    %eq3A_5 = arith.cmpi eq, %arg1, %eq3A_4 : i32
    %convert_element_type3A_6 = arith.extui %eq3A_5 : i1 to i32
    %cond3A_7 = arith.constant 0 : i32
    %cond3A_8 = arith.cmpi ne, %convert_element_type3A_6, %cond3A_7 : i32
    scf.if %cond3A_8 {
      %get3A_1456 = arith.constant 0 : index
      %get3A_1457 = arith.constant 0 : index
      %get3A_1458 = vector.load %arg12[%get3A_1456, %get3A_1457] : memref<2048x256xf32, #tpu.memory_space<vmem>>, vector<2048x256xf32>
      %get3A_1459 = arith.constant 0 : index
      %get3A_1460 = arith.constant 0 : index
      %get3A_1461 = vector.load %arg13[%get3A_1459, %get3A_1460] : memref<256x256xf32, #tpu.memory_space<vmem>>, vector<256x256xf32>
      %dot_general3A_1462 = arith.constant dense<0.000000e+00> : vector<2048x256xf32>
      %dot_general3A_1463 = tpu.matmul %get3A_1458, %get3A_1461, %dot_general3A_1462 {dimension_numbers = #tpu.dot_dimension_numbers<[1], [0], [0], [1], [0, 0, 1, 1], [], []>, transpose_lhs_hint = false} : vector<2048x256xf32>, vector<256x256xf32>, vector<2048x256xf32> -> vector<2048x256xf32>
      %get3A_1464 = arith.constant 0 : index
      %get3A_1465 = vector.load %arg16[%get3A_1464] : memref<256xf32, #tpu.memory_space<vmem>>, vector<256xf32>
      %broadcast_in_dim3A_1466 = vector.shape_cast %get3A_1465 : vector<256xf32> to vector<1x256xf32>
      %add3A_1467 = vector.broadcast %broadcast_in_dim3A_1466 : vector<1x256xf32> to vector<2048x256xf32>
      %add3A_1468 = arith.addf %dot_general3A_1463, %add3A_1467 : vector<2048x256xf32>
      %swap3A_1469 = arith.constant 0 : index
      %swap3A_1470 = arith.constant 0 : index
      %swap3A_1471 = vector.load %arg21[%swap3A_1469, %swap3A_1470] : memref<2048x256xf32, #tpu.memory_space<vmem>>, vector<2048x256xf32>
      tpu.vector_store %arg21[%swap3A_1469, %swap3A_1470], %add3A_1468 {strides = array<i32>} : memref<2048x256xf32, #tpu.memory_space<vmem>>, vector<2048x256xf32>,
    } else {
    }
    %get3A = arith.constant 0 : index
    %get3A_9 = arith.constant 0 : index
    %get3A_10 = vector.load %arg22[%get3A, %get3A_9] : memref<256x512xf32, #tpu.memory_space<vmem>>, vector<256x512xf32>
    %get3A_11 = arith.constant 0 : index
    %get3A_12 = arith.constant 0 : index
    %get3A_13 = vector.load %arg15[%get3A_11, %get3A_12] : memref<256x256xf32, #tpu.memory_space<vmem>>, vector<256x256xf32>
    %get3A_14 = arith.constant 0 : index
    %get3A_15 = vector.load %arg17[%get3A_14] : memref<256xf32, #tpu.memory_space<vmem>>, vector<256xf32>
    %mul3A = arith.constant 4 : i32
    %mul3A_16 = arith.muli %arg1, %mul3A : i32
    %add3A = arith.constant 0 : i32
    %add3A_17 = arith.addi %mul3A_16, %add3A : i32
    %get3A_18 = arith.index_cast %add3A_17 : i32 to index
    %get3A_19 = arith.constant 0 : index
    %get3A_20 = vector.load %arg20[%get3A_18, %get3A_19] : memref<16x256xf32, #tpu.memory_space<vmem>>, vector<1x256xf32>
    %get3A_21 = arith.index_cast %add3A_17 : i32 to index
    %get3A_22 = arith.constant 0 : index
    %get3A_23 = vector.load %arg23[%get3A_21, %get3A_22] : memref<16x256xf32, #tpu.memory_space<vmem>>, vector<1x256xf32>
    %get3A_24 = arith.constant 0 : index
    %get3A_25 = arith.constant 0 : index
    %get3A_26 = arith.constant 0 : index
    %get3A_27 = vector.load %arg2[%get3A_24, %get3A_25, %get3A_26] : memref<4x2048x256xf32, #tpu.memory_space<vmem>>, vector<1x256x256xf32>
    %get3A_28 = vector.shape_cast %get3A_27 : vector<1x256x256xf32> to vector<256x256xf32>
    %get3A_29 = arith.constant 0 : index
    %get3A_30 = arith.constant 0 : index
    %get3A_31 = vector.load %arg12[%get3A_29, %get3A_30] : memref<2048x256xf32, #tpu.memory_space<vmem>>, vector<256x256xf32>
    %dot_general3A = arith.constant dense<0.000000e+00> : vector<256x512xf32>
    %dot_general3A_32 = tpu.matmul %get3A_28, %get3A_10, %dot_general3A {dimension_numbers = #tpu.dot_dimension_numbers<[1], [0], [0], [1], [0, 0, 1, 1], [], []>, transpose_lhs_hint = false} : vector<256x256xf32>, vector<256x512xf32>, vector<256x512xf32> -> vector<256x512xf32>
    %slice3A = vector.extract_strided_slice %dot_general3A_32 {offsets = [0, 0], sizes = [256, 256], strides = [1, 1]} : vector<256x512xf32> to vector<256x256xf32>
    %add3A_33 = vector.broadcast %get3A_20 : vector<1x256xf32> to vector<256x256xf32>
    %add3A_34 = arith.addf %slice3A, %add3A_33 : vector<256x256xf32>
    %mul3A_35 = arith.mulf %add3A_34, %get3A_31 : vector<256x256xf32>
    %dot_general3A_36 = arith.constant dense<0.000000e+00> : vector<256x256xf32>
    %dot_general3A_37 = tpu.matmul %mul3A_35, %get3A_13, %dot_general3A_36 {dimension_numbers = #tpu.dot_dimension_numbers<[1], [0], [0], [1], [0, 0, 1, 1], [], []>, transpose_lhs_hint = false} : vector<256x256xf32>, vector<256x256xf32>, vector<256x256xf32> -> vector<256x256xf32>
    %slice3A_38 = vector.extract_strided_slice %dot_general3A_32 {offsets = [0, 256], sizes = [256, 256], strides = [1, 1]} : vector<256x512xf32> to vector<256x256xf32>
    %add3A_39 = arith.addf %dot_general3A_37, %slice3A_38 : vector<256x256xf32>
    %add3A_40 = vector.broadcast %get3A_23 : vector<1x256xf32> to vector<256x256xf32>
    %add3A_41 = arith.addf %add3A_39, %add3A_40 : vector<256x256xf32>
    %get3A_42 = arith.constant 0 : index
    %get3A_43 = arith.constant 0 : index
    %get3A_44 = vector.load %arg21[%get3A_42, %get3A_43] : memref<2048x256xf32, #tpu.memory_space<vmem>>, vector<256x256xf32>
    %add3A_45 = arith.addf %add3A_41, %get3A_44 : vector<256x256xf32>
    %max3A = arith.constant 0.000000e+00 : f32
    %max3A_46 = vector.broadcast %max3A : f32 to vector<256x256xf32>
    %max3A_47 = arith.maximumf %add3A_45, %max3A_46 : vector<256x256xf32>
    %broadcast_in_dim3A = vector.shape_cast %get3A_15 : vector<256xf32> to vector<1x256xf32>
    %mul3A_48 = vector.broadcast %broadcast_in_dim3A : vector<1x256xf32> to vector<256x256xf32>
    %mul3A_49 = arith.mulf %max3A_47, %mul3A_48 : vector<256x256xf32>
    %reduce_sum3A = arith.constant dense<0.000000e+00> : vector<256xf32>
    %reduce_sum3A_50 = vector.multi_reduction <add>, %mul3A_49, %reduce_sum3A [1] : vector<256x256xf32> to vector<256xf32>
    %get3A_51 = arith.constant 0 : index
    %get3A_52 = arith.constant 0 : index
    %get3A_53 = arith.constant 0 : index
    %get3A_54 = vector.load %arg18[%get3A_51, %get3A_52, %get3A_53] : memref<4x1x2048xf32, #tpu.memory_space<vmem>>, vector<1x1x256xf32>
    %get3A_55 = vector.shape_cast %get3A_54 : vector<1x1x256xf32> to vector<256xf32>
    %add3A_56 = arith.addf %reduce_sum3A_50, %get3A_55 : vector<256xf32>
    %swap3A = arith.constant 0 : index
    %swap3A_57 = arith.constant 0 : index
    %swap3A_58 = arith.constant 0 : index
    %swap3A_59 = vector.load %arg19[%swap3A, %swap3A_57, %swap3A_58] : memref<4x1x2048xf32, #tpu.memory_space<vmem>>, vector<1x1x256xf32>
    %swap3A_60 = vector.shape_cast %swap3A_59 : vector<1x1x256xf32> to vector<256xf32>
    %swap3A_61 = vector.shape_cast %add3A_56 : vector<256xf32> to vector<1x1x256xf32>
    tpu.vector_store %arg19[%swap3A, %swap3A_57, %swap3A_58], %swap3A_61 {strides = array<i32>} : memref<4x1x2048xf32, #tpu.memory_space<vmem>>, vector<1x1x256xf32>,
    %get3A_62 = arith.constant 0 : index
    %get3A_63 = arith.constant 256 : index
    %get3A_64 = arith.constant 0 : index
    %get3A_65 = vector.load %arg2[%get3A_62, %get3A_63, %get3A_64] : memref<4x2048x256xf32, #tpu.memory_space<vmem>>, vector<1x256x256xf32>
    %get3A_66 = vector.shape_cast %get3A_65 : vector<1x256x256xf32> to vector<256x256xf32>
    %get3A_67 = arith.constant 256 : index
    %get3A_68 = arith.constant 0 : index
    %get3A_69 = vector.load %arg12[%get3A_67, %get3A_68] : memref<2048x256xf32, #tpu.memory_space<vmem>>, vector<256x256xf32>
    %dot_general3A_70 = arith.constant dense<0.000000e+00> : vector<256x512xf32>
    %dot_general3A_71 = tpu.matmul %get3A_66, %get3A_10, %dot_general3A_70 {dimension_numbers = #tpu.dot_dimension_numbers<[1], [0], [0], [1], [0, 0, 1, 1], [], []>, transpose_lhs_hint = false} : vector<256x256xf32>, vector<256x512xf32>, vector<256x512xf32> -> vector<256x512xf32>
    %slice3A_72 = vector.extract_strided_slice %dot_general3A_71 {offsets = [0, 0], sizes = [256, 256], strides = [1, 1]} : vector<256x512xf32> to vector<256x256xf32>
    %add3A_73 = vector.broadcast %get3A_20 : vector<1x256xf32> to vector<256x256xf32>
    %add3A_74 = arith.addf %slice3A_72, %add3A_73 : vector<256x256xf32>
    %mul3A_75 = arith.mulf %add3A_74, %get3A_69 : vector<256x256xf32>
    %dot_general3A_76 = arith.constant dense<0.000000e+00> : vector<256x256xf32>
    %dot_general3A_77 = tpu.matmul %mul3A_75, %get3A_13, %dot_general3A_76 {dimension_numbers = #tpu.dot_dimension_numbers<[1], [0], [0], [1], [0, 0, 1, 1], [], []>, transpose_lhs_hint = false} : vector<256x256xf32>, vector<256x256xf32>, vector<256x256xf32> -> vector<256x256xf32>
    %slice3A_78 = vector.extract_strided_slice %dot_general3A_71 {offsets = [0, 256], sizes = [256, 256], strides = [1, 1]} : vector<256x512xf32> to vector<256x256xf32>
    %add3A_79 = arith.addf %dot_general3A_77, %slice3A_78 : vector<256x256xf32>
    %add3A_80 = vector.broadcast %get3A_23 : vector<1x256xf32> to vector<256x256xf32>
    %add3A_81 = arith.addf %add3A_79, %add3A_80 : vector<256x256xf32>
    %get3A_82 = arith.constant 256 : index
    %get3A_83 = arith.constant 0 : index
    %get3A_84 = vector.load %arg21[%get3A_82, %get3A_83] : memref<2048x256xf32, #tpu.memory_space<vmem>>, vector<256x256xf32>
    %add3A_85 = arith.addf %add3A_81, %get3A_84 : vector<256x256xf32>
    %max3A_86 = arith.constant 0.000000e+00 : f32
    %max3A_87 = vector.broadcast %max3A_86 : f32 to vector<256x256xf32>
    %max3A_88 = arith.maximumf %add3A_85, %max3A_87 : vector<256x256xf32>
    %broadcast_in_dim3A_89 = vector.shape_cast %get3A_15 : vector<256xf32> to vector<1x256xf32>
    %mul3A_90 = vector.broadcast %broadcast_in_dim3A_89 : vector<1x256xf32> to vector<256x256xf32>
    %mul3A_91 = arith.mulf %max3A_88, %mul3A_90 : vector<256x256xf32>
    %reduce_sum3A_92 = arith.constant dense<0.000000e+00> : vector<256xf32>
    %reduce_sum3A_93 = vector.multi_reduction <add>, %mul3A_91, %reduce_sum3A_92 [1] : vector<256x256xf32> to vector<256xf32>
    %get3A_94 = arith.constant 0 : index
    %get3A_95 = arith.constant 0 : index
    %get3A_96 = arith.constant 256 : index
    %get3A_97 = vector.load %arg18[%get3A_94, %get3A_95, %get3A_96] : memref<4x1x2048xf32, #tpu.memory_space<vmem>>, vector<1x1x256xf32>
    %get3A_98 = vector.shape_cast %get3A_97 : vector<1x1x256xf32> to vector<256xf32>
    %add3A_99 = arith.addf %reduce_sum3A_93, %get3A_98 : vector<256xf32>
    %swap3A_100 = arith.constant 0 : index
    %swap3A_101 = arith.constant 0 : index
    %swap3A_102 = arith.constant 256 : index
    %swap3A_103 = vector.load %arg19[%swap3A_100, %swap3A_101, %swap3A_102] : memref<4x1x2048xf32, #tpu.memory_space<vmem>>, vector<1x1x256xf32>
    %swap3A_104 = vector.shape_cast %swap3A_103 : vector<1x1x256xf32> to vector<256xf32>
    %swap3A_105 = vector.shape_cast %add3A_99 : vector<256xf32> to vector<1x1x256xf32>
    tpu.vector_store %arg19[%swap3A_100, %swap3A_101, %swap3A_102], %swap3A_105 {strides = array<i32>} : memref<4x1x2048xf32, #tpu.memory_space<vmem>>, vector<1x1x256xf32>,
    %get3A_106 = arith.constant 0 : index
    %get3A_107 = arith.constant 512 : index
    %get3A_108 = arith.constant 0 : index
    %get3A_109 = vector.load %arg2[%get3A_106, %get3A_107, %get3A_108] : memref<4x2048x256xf32, #tpu.memory_space<vmem>>, vector<1x256x256xf32>
    %get3A_110 = vector.shape_cast %get3A_109 : vector<1x256x256xf32> to vector<256x256xf32>
    %get3A_111 = arith.constant 512 : index
    %get3A_112 = arith.constant 0 : index
    %get3A_113 = vector.load %arg12[%get3A_111, %get3A_112] : memref<2048x256xf32, #tpu.memory_space<vmem>>, vector<256x256xf32>
    %dot_general3A_114 = arith.constant dense<0.000000e+00> : vector<256x512xf32>
    %dot_general3A_115 = tpu.matmul %get3A_110, %get3A_10, %dot_general3A_114 {dimension_numbers = #tpu.dot_dimension_numbers<[1], [0], [0], [1], [0, 0, 1, 1], [], []>, transpose_lhs_hint = false} : vector<256x256xf32>, vector<256x512xf32>, vector<256x512xf32> -> vector<256x512xf32>
    %slice3A_116 = vector.extract_strided_slice %dot_general3A_115 {offsets = [0, 0], sizes = [256, 256], strides = [1, 1]} : vector<256x512xf32> to vector<256x256xf32>
    %add3A_117 = vector.broadcast %get3A_20 : vector<1x256xf32> to vector<256x256xf32>
    %add3A_118 = arith.addf %slice3A_116, %add3A_117 : vector<256x256xf32>
    %mul3A_119 = arith.mulf %add3A_118, %get3A_113 : vector<256x256xf32>
    %dot_general3A_120 = arith.constant dense<0.000000e+00> : vector<256x256xf32>
    %dot_general3A_121 = tpu.matmul %mul3A_119, %get3A_13, %dot_general3A_120 {dimension_numbers = #tpu.dot_dimension_numbers<[1], [0], [0], [1], [0, 0, 1, 1], [], []>, transpose_lhs_hint = false} : vector<256x256xf32>, vector<256x256xf32>, vector<256x256xf32> -> vector<256x256xf32>
    %slice3A_122 = vector.extract_strided_slice %dot_general3A_115 {offsets = [0, 256], sizes = [256, 256], strides = [1, 1]} : vector<256x512xf32> to vector<256x256xf32>
    %add3A_123 = arith.addf %dot_general3A_121, %slice3A_122 : vector<256x256xf32>
    %add3A_124 = vector.broadcast %get3A_23 : vector<1x256xf32> to vector<256x256xf32>
    %add3A_125 = arith.addf %add3A_123, %add3A_124 : vector<256x256xf32>
    %get3A_126 = arith.constant 512 : index
    %get3A_127 = arith.constant 0 : index
    %get3A_128 = vector.load %arg21[%get3A_126, %get3A_127] : memref<2048x256xf32, #tpu.memory_space<vmem>>, vector<256x256xf32>
    %add3A_129 = arith.addf %add3A_125, %get3A_128 : vector<256x256xf32>
    %max3A_130 = arith.constant 0.000000e+00 : f32
    %max3A_131 = vector.broadcast %max3A_130 : f32 to vector<256x256xf32>
    %max3A_132 = arith.maximumf %add3A_129, %max3A_131 : vector<256x256xf32>
    %broadcast_in_dim3A_133 = vector.shape_cast %get3A_15 : vector<256xf32> to vector<1x256xf32>
    %mul3A_134 = vector.broadcast %broadcast_in_dim3A_133 : vector<1x256xf32> to vector<256x256xf32>
    %mul3A_135 = arith.mulf %max3A_132, %mul3A_134 : vector<256x256xf32>
    %reduce_sum3A_136 = arith.constant dense<0.000000e+00> : vector<256xf32>
    %reduce_sum3A_137 = vector.multi_reduction <add>, %mul3A_135, %reduce_sum3A_136 [1] : vector<256x256xf32> to vector<256xf32>
    %get3A_138 = arith.constant 0 : index
    %get3A_139 = arith.constant 0 : index
    %get3A_140 = arith.constant 512 : index
    %get3A_141 = vector.load %arg18[%get3A_138, %get3A_139, %get3A_140] : memref<4x1x2048xf32, #tpu.memory_space<vmem>>, vector<1x1x256xf32>
    %get3A_142 = vector.shape_cast %get3A_141 : vector<1x1x256xf32> to vector<256xf32>
    %add3A_143 = arith.addf %reduce_sum3A_137, %get3A_142 : vector<256xf32>
    %swap3A_144 = arith.constant 0 : index
    %swap3A_145 = arith.constant 0 : index
    %swap3A_146 = arith.constant 512 : index
    %swap3A_147 = vector.load %arg19[%swap3A_144, %swap3A_145, %swap3A_146] : memref<4x1x2048xf32, #tpu.memory_space<vmem>>, vector<1x1x256xf32>
    %swap3A_148 = vector.shape_cast %swap3A_147 : vector<1x1x256xf32> to vector<256xf32>
    %swap3A_149 = vector.shape_cast %add3A_143 : vector<256xf32> to vector<1x1x256xf32>
    tpu.vector_store %arg19[%swap3A_144, %swap3A_145, %swap3A_146], %swap3A_149 {strides = array<i32>} : memref<4x1x2048xf32, #tpu.memory_space<vmem>>, vector<1x1x256xf32>,
    %get3A_150 = arith.constant 0 : index
    %get3A_151 = arith.constant 768 : index
    %get3A_152 = arith.constant 0 : index
    %get3A_153 = vector.load %arg2[%get3A_150, %get3A_151, %get3A_152] : memref<4x2048x256xf32, #tpu.memory_space<vmem>>, vector<1x256x256xf32>
    %get3A_154 = vector.shape_cast %get3A_153 : vector<1x256x256xf32> to vector<256x256xf32>
    %get3A_155 = arith.constant 768 : index
    %get3A_156 = arith.constant 0 : index
    %get3A_157 = vector.load %arg12[%get3A_155, %get3A_156] : memref<2048x256xf32, #tpu.memory_space<vmem>>, vector<256x256xf32>
    %dot_general3A_158 = arith.constant dense<0.000000e+00> : vector<256x512xf32>
    %dot_general3A_159 = tpu.matmul %get3A_154, %get3A_10, %dot_general3A_158 {dimension_numbers = #tpu.dot_dimension_numbers<[1], [0], [0], [1], [0, 0, 1, 1], [], []>, transpose_lhs_hint = false} : vector<256x256xf32>, vector<256x512xf32>, vector<256x512xf32> -> vector<256x512xf32>
    %slice3A_160 = vector.extract_strided_slice %dot_general3A_159 {offsets = [0, 0], sizes = [256, 256], strides = [1, 1]} : vector<256x512xf32> to vector<256x256xf32>
    %add3A_161 = vector.broadcast %get3A_20 : vector<1x256xf32> to vector<256x256xf32>
    %add3A_162 = arith.addf %slice3A_160, %add3A_161 : vector<256x256xf32>
    %mul3A_163 = arith.mulf %add3A_162, %get3A_157 : vector<256x256xf32>
    %dot_general3A_164 = arith.constant dense<0.000000e+00> : vector<256x256xf32>
    %dot_general3A_165 = tpu.matmul %mul3A_163, %get3A_13, %dot_general3A_164 {dimension_numbers = #tpu.dot_dimension_numbers<[1], [0], [0], [1], [0, 0, 1, 1], [], []>, transpose_lhs_hint = false} : vector<256x256xf32>, vector<256x256xf32>, vector<256x256xf32> -> vector<256x256xf32>
    %slice3A_166 = vector.extract_strided_slice %dot_general3A_159 {offsets = [0, 256], sizes = [256, 256], strides = [1, 1]} : vector<256x512xf32> to vector<256x256xf32>
    %add3A_167 = arith.addf %dot_general3A_165, %slice3A_166 : vector<256x256xf32>
    %add3A_168 = vector.broadcast %get3A_23 : vector<1x256xf32> to vector<256x256xf32>
    %add3A_169 = arith.addf %add3A_167, %add3A_168 : vector<256x256xf32>
    %get3A_170 = arith.constant 768 : index
    %get3A_171 = arith.constant 0 : index
    %get3A_172 = vector.load %arg21[%get3A_170, %get3A_171] : memref<2048x256xf32, #tpu.memory_space<vmem>>, vector<256x256xf32>
    %add3A_173 = arith.addf %add3A_169, %get3A_172 : vector<256x256xf32>
    %max3A_174 = arith.constant 0.000000e+00 : f32
    %max3A_175 = vector.broadcast %max3A_174 : f32 to vector<256x256xf32>
    %max3A_176 = arith.maximumf %add3A_173, %max3A_175 : vector<256x256xf32>
    %broadcast_in_dim3A_177 = vector.shape_cast %get3A_15 : vector<256xf32> to vector<1x256xf32>
    %mul3A_178 = vector.broadcast %broadcast_in_dim3A_177 : vector<1x256xf32> to vector<256x256xf32>
    %mul3A_179 = arith.mulf %max3A_176, %mul3A_178 : vector<256x256xf32>
    %reduce_sum3A_180 = arith.constant dense<0.000000e+00> : vector<256xf32>
    %reduce_sum3A_181 = vector.multi_reduction <add>, %mul3A_179, %reduce_sum3A_180 [1] : vector<256x256xf32> to vector<256xf32>
    %get3A_182 = arith.constant 0 : index
    %get3A_183 = arith.constant 0 : index
    %get3A_184 = arith.constant 768 : index
    %get3A_185 = vector.load %arg18[%get3A_182, %get3A_183, %get3A_184] : memref<4x1x2048xf32, #tpu.memory_space<vmem>>, vector<1x1x256xf32>
    %get3A_186 = vector.shape_cast %get3A_185 : vector<1x1x256xf32> to vector<256xf32>
    %add3A_187 = arith.addf %reduce_sum3A_181, %get3A_186 : vector<256xf32>
    %swap3A_188 = arith.constant 0 : index
    %swap3A_189 = arith.constant 0 : index
    %swap3A_190 = arith.constant 768 : index
    %swap3A_191 = vector.load %arg19[%swap3A_188, %swap3A_189, %swap3A_190] : memref<4x1x2048xf32, #tpu.memory_space<vmem>>, vector<1x1x256xf32>
    %swap3A_192 = vector.shape_cast %swap3A_191 : vector<1x1x256xf32> to vector<256xf32>
    %swap3A_193 = vector.shape_cast %add3A_187 : vector<256xf32> to vector<1x1x256xf32>
    tpu.vector_store %arg19[%swap3A_188, %swap3A_189, %swap3A_190], %swap3A_193 {strides = array<i32>} : memref<4x1x2048xf32, #tpu.memory_space<vmem>>, vector<1x1x256xf32>,
    %get3A_194 = arith.constant 0 : index
    %get3A_195 = arith.constant 1024 : index
    %get3A_196 = arith.constant 0 : index
    %get3A_197 = vector.load %arg2[%get3A_194, %get3A_195, %get3A_196] : memref<4x2048x256xf32, #tpu.memory_space<vmem>>, vector<1x256x256xf32>
    %get3A_198 = vector.shape_cast %get3A_197 : vector<1x256x256xf32> to vector<256x256xf32>
    %get3A_199 = arith.constant 1024 : index
    %get3A_200 = arith.constant 0 : index
    %get3A_201 = vector.load %arg12[%get3A_199, %get3A_200] : memref<2048x256xf32, #tpu.memory_space<vmem>>, vector<256x256xf32>
    %dot_general3A_202 = arith.constant dense<0.000000e+00> : vector<256x512xf32>
    %dot_general3A_203 = tpu.matmul %get3A_198, %get3A_10, %dot_general3A_202 {dimension_numbers = #tpu.dot_dimension_numbers<[1], [0], [0], [1], [0, 0, 1, 1], [], []>, transpose_lhs_hint = false} : vector<256x256xf32>, vector<256x512xf32>, vector<256x512xf32> -> vector<256x512xf32>
    %slice3A_204 = vector.extract_strided_slice %dot_general3A_203 {offsets = [0, 0], sizes = [256, 256], strides = [1, 1]} : vector<256x512xf32> to vector<256x256xf32>
    %add3A_205 = vector.broadcast %get3A_20 : vector<1x256xf32> to vector<256x256xf32>
    %add3A_206 = arith.addf %slice3A_204, %add3A_205 : vector<256x256xf32>
    %mul3A_207 = arith.mulf %add3A_206, %get3A_201 : vector<256x256xf32>
    %dot_general3A_208 = arith.constant dense<0.000000e+00> : vector<256x256xf32>
    %dot_general3A_209 = tpu.matmul %mul3A_207, %get3A_13, %dot_general3A_208 {dimension_numbers = #tpu.dot_dimension_numbers<[1], [0], [0], [1], [0, 0, 1, 1], [], []>, transpose_lhs_hint = false} : vector<256x256xf32>, vector<256x256xf32>, vector<256x256xf32> -> vector<256x256xf32>
    %slice3A_210 = vector.extract_strided_slice %dot_general3A_203 {offsets = [0, 256], sizes = [256, 256], strides = [1, 1]} : vector<256x512xf32> to vector<256x256xf32>
    %add3A_211 = arith.addf %dot_general3A_209, %slice3A_210 : vector<256x256xf32>
    %add3A_212 = vector.broadcast %get3A_23 : vector<1x256xf32> to vector<256x256xf32>
    %add3A_213 = arith.addf %add3A_211, %add3A_212 : vector<256x256xf32>
    %get3A_214 = arith.constant 1024 : index
    %get3A_215 = arith.constant 0 : index
    %get3A_216 = vector.load %arg21[%get3A_214, %get3A_215] : memref<2048x256xf32, #tpu.memory_space<vmem>>, vector<256x256xf32>
    %add3A_217 = arith.addf %add3A_213, %get3A_216 : vector<256x256xf32>
    %max3A_218 = arith.constant 0.000000e+00 : f32
    %max3A_219 = vector.broadcast %max3A_218 : f32 to vector<256x256xf32>
    %max3A_220 = arith.maximumf %add3A_217, %max3A_219 : vector<256x256xf32>
    %broadcast_in_dim3A_221 = vector.shape_cast %get3A_15 : vector<256xf32> to vector<1x256xf32>
    %mul3A_222 = vector.broadcast %broadcast_in_dim3A_221 : vector<1x256xf32> to vector<256x256xf32>
    %mul3A_223 = arith.mulf %max3A_220, %mul3A_222 : vector<256x256xf32>
    %reduce_sum3A_224 = arith.constant dense<0.000000e+00> : vector<256xf32>
    %reduce_sum3A_225 = vector.multi_reduction <add>, %mul3A_223, %reduce_sum3A_224 [1] : vector<256x256xf32> to vector<256xf32>
    %get3A_226 = arith.constant 0 : index
    %get3A_227 = arith.constant 0 : index
    %get3A_228 = arith.constant 1024 : index
    %get3A_229 = vector.load %arg18[%get3A_226, %get3A_227, %get3A_228] : memref<4x1x2048xf32, #tpu.memory_space<vmem>>, vector<1x1x256xf32>
    %get3A_230 = vector.shape_cast %get3A_229 : vector<1x1x256xf32> to vector<256xf32>
    %add3A_231 = arith.addf %reduce_sum3A_225, %get3A_230 : vector<256xf32>
    %swap3A_232 = arith.constant 0 : index
    %swap3A_233 = arith.constant 0 : index
    %swap3A_234 = arith.constant 1024 : index
    %swap3A_235 = vector.load %arg19[%swap3A_232, %swap3A_233, %swap3A_234] : memref<4x1x2048xf32, #tpu.memory_space<vmem>>, vector<1x1x256xf32>
    %swap3A_236 = vector.shape_cast %swap3A_235 : vector<1x1x256xf32> to vector<256xf32>
    %swap3A_237 = vector.shape_cast %add3A_231 : vector<256xf32> to vector<1x1x256xf32>
    tpu.vector_store %arg19[%swap3A_232, %swap3A_233, %swap3A_234], %swap3A_237 {strides = array<i32>} : memref<4x1x2048xf32, #tpu.memory_space<vmem>>, vector<1x1x256xf32>,
    %get3A_238 = arith.constant 0 : index
    %get3A_239 = arith.constant 1280 : index
    %get3A_240 = arith.constant 0 : index
    %get3A_241 = vector.load %arg2[%get3A_238, %get3A_239, %get3A_240] : memref<4x2048x256xf32, #tpu.memory_space<vmem>>, vector<1x256x256xf32>
    %get3A_242 = vector.shape_cast %get3A_241 : vector<1x256x256xf32> to vector<256x256xf32>
    %get3A_243 = arith.constant 1280 : index
    %get3A_244 = arith.constant 0 : index
    %get3A_245 = vector.load %arg12[%get3A_243, %get3A_244] : memref<2048x256xf32, #tpu.memory_space<vmem>>, vector<256x256xf32>
    %dot_general3A_246 = arith.constant dense<0.000000e+00> : vector<256x512xf32>
    %dot_general3A_247 = tpu.matmul %get3A_242, %get3A_10, %dot_general3A_246 {dimension_numbers = #tpu.dot_dimension_numbers<[1], [0], [0], [1], [0, 0, 1, 1], [], []>, transpose_lhs_hint = false} : vector<256x256xf32>, vector<256x512xf32>, vector<256x512xf32> -> vector<256x512xf32>
    %slice3A_248 = vector.extract_strided_slice %dot_general3A_247 {offsets = [0, 0], sizes = [256, 256], strides = [1, 1]} : vector<256x512xf32> to vector<256x256xf32>
    %add3A_249 = vector.broadcast %get3A_20 : vector<1x256xf32> to vector<256x256xf32>
    %add3A_250 = arith.addf %slice3A_248, %add3A_249 : vector<256x256xf32>
    %mul3A_251 = arith.mulf %add3A_250, %get3A_245 : vector<256x256xf32>
    %dot_general3A_252 = arith.constant dense<0.000000e+00> : vector<256x256xf32>
    %dot_general3A_253 = tpu.matmul %mul3A_251, %get3A_13, %dot_general3A_252 {dimension_numbers = #tpu.dot_dimension_numbers<[1], [0], [0], [1], [0, 0, 1, 1], [], []>, transpose_lhs_hint = false} : vector<256x256xf32>, vector<256x256xf32>, vector<256x256xf32> -> vector<256x256xf32>
    %slice3A_254 = vector.extract_strided_slice %dot_general3A_247 {offsets = [0, 256], sizes = [256, 256], strides = [1, 1]} : vector<256x512xf32> to vector<256x256xf32>
    %add3A_255 = arith.addf %dot_general3A_253, %slice3A_254 : vector<256x256xf32>
    %add3A_256 = vector.broadcast %get3A_23 : vector<1x256xf32> to vector<256x256xf32>
    %add3A_257 = arith.addf %add3A_255, %add3A_256 : vector<256x256xf32>
    %get3A_258 = arith.constant 1280 : index
    %get3A_259 = arith.constant 0 : index
    %get3A_260 = vector.load %arg21[%get3A_258, %get3A_259] : memref<2048x256xf32, #tpu.memory_space<vmem>>, vector<256x256xf32>
    %add3A_261 = arith.addf %add3A_257, %get3A_260 : vector<256x256xf32>
    %max3A_262 = arith.constant 0.000000e+00 : f32
    %max3A_263 = vector.broadcast %max3A_262 : f32 to vector<256x256xf32>
    %max3A_264 = arith.maximumf %add3A_261, %max3A_263 : vector<256x256xf32>
    %broadcast_in_dim3A_265 = vector.shape_cast %get3A_15 : vector<256xf32> to vector<1x256xf32>
    %mul3A_266 = vector.broadcast %broadcast_in_dim3A_265 : vector<1x256xf32> to vector<256x256xf32>
    %mul3A_267 = arith.mulf %max3A_264, %mul3A_266 : vector<256x256xf32>
    %reduce_sum3A_268 = arith.constant dense<0.000000e+00> : vector<256xf32>
    %reduce_sum3A_269 = vector.multi_reduction <add>, %mul3A_267, %reduce_sum3A_268 [1] : vector<256x256xf32> to vector<256xf32>
    %get3A_270 = arith.constant 0 : index
    %get3A_271 = arith.constant 0 : index
    %get3A_272 = arith.constant 1280 : index
    %get3A_273 = vector.load %arg18[%get3A_270, %get3A_271, %get3A_272] : memref<4x1x2048xf32, #tpu.memory_space<vmem>>, vector<1x1x256xf32>
    %get3A_274 = vector.shape_cast %get3A_273 : vector<1x1x256xf32> to vector<256xf32>
    %add3A_275 = arith.addf %reduce_sum3A_269, %get3A_274 : vector<256xf32>
    %swap3A_276 = arith.constant 0 : index
    %swap3A_277 = arith.constant 0 : index
    %swap3A_278 = arith.constant 1280 : index
    %swap3A_279 = vector.load %arg19[%swap3A_276, %swap3A_277, %swap3A_278] : memref<4x1x2048xf32, #tpu.memory_space<vmem>>, vector<1x1x256xf32>
    %swap3A_280 = vector.shape_cast %swap3A_279 : vector<1x1x256xf32> to vector<256xf32>
    %swap3A_281 = vector.shape_cast %add3A_275 : vector<256xf32> to vector<1x1x256xf32>
    tpu.vector_store %arg19[%swap3A_276, %swap3A_277, %swap3A_278], %swap3A_281 {strides = array<i32>} : memref<4x1x2048xf32, #tpu.memory_space<vmem>>, vector<1x1x256xf32>,
    %get3A_282 = arith.constant 0 : index
    %get3A_283 = arith.constant 1536 : index
    %get3A_284 = arith.constant 0 : index
    %get3A_285 = vector.load %arg2[%get3A_282, %get3A_283, %get3A_284] : memref<4x2048x256xf32, #tpu.memory_space<vmem>>, vector<1x256x256xf32>
    %get3A_286 = vector.shape_cast %get3A_285 : vector<1x256x256xf32> to vector<256x256xf32>
    %get3A_287 = arith.constant 1536 : index
    %get3A_288 = arith.constant 0 : index
    %get3A_289 = vector.load %arg12[%get3A_287, %get3A_288] : memref<2048x256xf32, #tpu.memory_space<vmem>>, vector<256x256xf32>
    %dot_general3A_290 = arith.constant dense<0.000000e+00> : vector<256x512xf32>
    %dot_general3A_291 = tpu.matmul %get3A_286, %get3A_10, %dot_general3A_290 {dimension_numbers = #tpu.dot_dimension_numbers<[1], [0], [0], [1], [0, 0, 1, 1], [], []>, transpose_lhs_hint = false} : vector<256x256xf32>, vector<256x512xf32>, vector<256x512xf32> -> vector<256x512xf32>
    %slice3A_292 = vector.extract_strided_slice %dot_general3A_291 {offsets = [0, 0], sizes = [256, 256], strides = [1, 1]} : vector<256x512xf32> to vector<256x256xf32>
    %add3A_293 = vector.broadcast %get3A_20 : vector<1x256xf32> to vector<256x256xf32>
    %add3A_294 = arith.addf %slice3A_292, %add3A_293 : vector<256x256xf32>
    %mul3A_295 = arith.mulf %add3A_294, %get3A_289 : vector<256x256xf32>
    %dot_general3A_296 = arith.constant dense<0.000000e+00> : vector<256x256xf32>
    %dot_general3A_297 = tpu.matmul %mul3A_295, %get3A_13, %dot_general3A_296 {dimension_numbers = #tpu.dot_dimension_numbers<[1], [0], [0], [1], [0, 0, 1, 1], [], []>, transpose_lhs_hint = false} : vector<256x256xf32>, vector<256x256xf32>, vector<256x256xf32> -> vector<256x256xf32>
    %slice3A_298 = vector.extract_strided_slice %dot_general3A_291 {offsets = [0, 256], sizes = [256, 256], strides = [1, 1]} : vector<256x512xf32> to vector<256x256xf32>
    %add3A_299 = arith.addf %dot_general3A_297, %slice3A_298 : vector<256x256xf32>
    %add3A_300 = vector.broadcast %get3A_23 : vector<1x256xf32> to vector<256x256xf32>
    %add3A_301 = arith.addf %add3A_299, %add3A_300 : vector<256x256xf32>
    %get3A_302 = arith.constant 1536 : index
    %get3A_303 = arith.constant 0 : index
    %get3A_304 = vector.load %arg21[%get3A_302, %get3A_303] : memref<2048x256xf32, #tpu.memory_space<vmem>>, vector<256x256xf32>
    %add3A_305 = arith.addf %add3A_301, %get3A_304 : vector<256x256xf32>
    %max3A_306 = arith.constant 0.000000e+00 : f32
    %max3A_307 = vector.broadcast %max3A_306 : f32 to vector<256x256xf32>
    %max3A_308 = arith.maximumf %add3A_305, %max3A_307 : vector<256x256xf32>
    %broadcast_in_dim3A_309 = vector.shape_cast %get3A_15 : vector<256xf32> to vector<1x256xf32>
    %mul3A_310 = vector.broadcast %broadcast_in_dim3A_309 : vector<1x256xf32> to vector<256x256xf32>
    %mul3A_311 = arith.mulf %max3A_308, %mul3A_310 : vector<256x256xf32>
    %reduce_sum3A_312 = arith.constant dense<0.000000e+00> : vector<256xf32>
    %reduce_sum3A_313 = vector.multi_reduction <add>, %mul3A_311, %reduce_sum3A_312 [1] : vector<256x256xf32> to vector<256xf32>
    %get3A_314 = arith.constant 0 : index
    %get3A_315 = arith.constant 0 : index
    %get3A_316 = arith.constant 1536 : index
    %get3A_317 = vector.load %arg18[%get3A_314, %get3A_315, %get3A_316] : memref<4x1x2048xf32, #tpu.memory_space<vmem>>, vector<1x1x256xf32>
    %get3A_318 = vector.shape_cast %get3A_317 : vector<1x1x256xf32> to vector<256xf32>
    %add3A_319 = arith.addf %reduce_sum3A_313, %get3A_318 : vector<256xf32>
    %swap3A_320 = arith.constant 0 : index
    %swap3A_321 = arith.constant 0 : index
    %swap3A_322 = arith.constant 1536 : index
    %swap3A_323 = vector.load %arg19[%swap3A_320, %swap3A_321, %swap3A_322] : memref<4x1x2048xf32, #tpu.memory_space<vmem>>, vector<1x1x256xf32>
    %swap3A_324 = vector.shape_cast %swap3A_323 : vector<1x1x256xf32> to vector<256xf32>
    %swap3A_325 = vector.shape_cast %add3A_319 : vector<256xf32> to vector<1x1x256xf32>
    tpu.vector_store %arg19[%swap3A_320, %swap3A_321, %swap3A_322], %swap3A_325 {strides = array<i32>} : memref<4x1x2048xf32, #tpu.memory_space<vmem>>, vector<1x1x256xf32>,
    %get3A_326 = arith.constant 0 : index
    %get3A_327 = arith.constant 1792 : index
    %get3A_328 = arith.constant 0 : index
    %get3A_329 = vector.load %arg2[%get3A_326, %get3A_327, %get3A_328] : memref<4x2048x256xf32, #tpu.memory_space<vmem>>, vector<1x256x256xf32>
    %get3A_330 = vector.shape_cast %get3A_329 : vector<1x256x256xf32> to vector<256x256xf32>
    %get3A_331 = arith.constant 1792 : index
    %get3A_332 = arith.constant 0 : index
    %get3A_333 = vector.load %arg12[%get3A_331, %get3A_332] : memref<2048x256xf32, #tpu.memory_space<vmem>>, vector<256x256xf32>
    %dot_general3A_334 = arith.constant dense<0.000000e+00> : vector<256x512xf32>
    %dot_general3A_335 = tpu.matmul %get3A_330, %get3A_10, %dot_general3A_334 {dimension_numbers = #tpu.dot_dimension_numbers<[1], [0], [0], [1], [0, 0, 1, 1], [], []>, transpose_lhs_hint = false} : vector<256x256xf32>, vector<256x512xf32>, vector<256x512xf32> -> vector<256x512xf32>
    %slice3A_336 = vector.extract_strided_slice %dot_general3A_335 {offsets = [0, 0], sizes = [256, 256], strides = [1, 1]} : vector<256x512xf32> to vector<256x256xf32>
    %add3A_337 = vector.broadcast %get3A_20 : vector<1x256xf32> to vector<256x256xf32>
    %add3A_338 = arith.addf %slice3A_336, %add3A_337 : vector<256x256xf32>
    %mul3A_339 = arith.mulf %add3A_338, %get3A_333 : vector<256x256xf32>
    %dot_general3A_340 = arith.constant dense<0.000000e+00> : vector<256x256xf32>
    %dot_general3A_341 = tpu.matmul %mul3A_339, %get3A_13, %dot_general3A_340 {dimension_numbers = #tpu.dot_dimension_numbers<[1], [0], [0], [1], [0, 0, 1, 1], [], []>, transpose_lhs_hint = false} : vector<256x256xf32>, vector<256x256xf32>, vector<256x256xf32> -> vector<256x256xf32>
    %slice3A_342 = vector.extract_strided_slice %dot_general3A_335 {offsets = [0, 256], sizes = [256, 256], strides = [1, 1]} : vector<256x512xf32> to vector<256x256xf32>
    %add3A_343 = arith.addf %dot_general3A_341, %slice3A_342 : vector<256x256xf32>
    %add3A_344 = vector.broadcast %get3A_23 : vector<1x256xf32> to vector<256x256xf32>
    %add3A_345 = arith.addf %add3A_343, %add3A_344 : vector<256x256xf32>
    %get3A_346 = arith.constant 1792 : index
    %get3A_347 = arith.constant 0 : index
    %get3A_348 = vector.load %arg21[%get3A_346, %get3A_347] : memref<2048x256xf32, #tpu.memory_space<vmem>>, vector<256x256xf32>
    %add3A_349 = arith.addf %add3A_345, %get3A_348 : vector<256x256xf32>
    %max3A_350 = arith.constant 0.000000e+00 : f32
    %max3A_351 = vector.broadcast %max3A_350 : f32 to vector<256x256xf32>
    %max3A_352 = arith.maximumf %add3A_349, %max3A_351 : vector<256x256xf32>
    %broadcast_in_dim3A_353 = vector.shape_cast %get3A_15 : vector<256xf32> to vector<1x256xf32>
    %mul3A_354 = vector.broadcast %broadcast_in_dim3A_353 : vector<1x256xf32> to vector<256x256xf32>
    %mul3A_355 = arith.mulf %max3A_352, %mul3A_354 : vector<256x256xf32>
    %reduce_sum3A_356 = arith.constant dense<0.000000e+00> : vector<256xf32>
    %reduce_sum3A_357 = vector.multi_reduction <add>, %mul3A_355, %reduce_sum3A_356 [1] : vector<256x256xf32> to vector<256xf32>
    %get3A_358 = arith.constant 0 : index
    %get3A_359 = arith.constant 0 : index
    %get3A_360 = arith.constant 1792 : index
    %get3A_361 = vector.load %arg18[%get3A_358, %get3A_359, %get3A_360] : memref<4x1x2048xf32, #tpu.memory_space<vmem>>, vector<1x1x256xf32>
    %get3A_362 = vector.shape_cast %get3A_361 : vector<1x1x256xf32> to vector<256xf32>
    %add3A_363 = arith.addf %reduce_sum3A_357, %get3A_362 : vector<256xf32>
    %swap3A_364 = arith.constant 0 : index
    %swap3A_365 = arith.constant 0 : index
    %swap3A_366 = arith.constant 1792 : index
    %swap3A_367 = vector.load %arg19[%swap3A_364, %swap3A_365, %swap3A_366] : memref<4x1x2048xf32, #tpu.memory_space<vmem>>, vector<1x1x256xf32>
    %swap3A_368 = vector.shape_cast %swap3A_367 : vector<1x1x256xf32> to vector<256xf32>
    %swap3A_369 = vector.shape_cast %add3A_363 : vector<256xf32> to vector<1x1x256xf32>
    tpu.vector_store %arg19[%swap3A_364, %swap3A_365, %swap3A_366], %swap3A_369 {strides = array<i32>} : memref<4x1x2048xf32, #tpu.memory_space<vmem>>, vector<1x1x256xf32>,
    %mul3A_370 = arith.constant 4 : i32
    %mul3A_371 = arith.muli %arg1, %mul3A_370 : i32
    %add3A_372 = arith.constant 1 : i32
    %add3A_373 = arith.addi %mul3A_371, %add3A_372 : i32
    %get3A_374 = arith.index_cast %add3A_373 : i32 to index
    %get3A_375 = arith.constant 0 : index
    %get3A_376 = vector.load %arg20[%get3A_374, %get3A_375] : memref<16x256xf32, #tpu.memory_space<vmem>>, vector<1x256xf32>
    %get3A_377 = arith.index_cast %add3A_373 : i32 to index
    %get3A_378 = arith.constant 0 : index
    %get3A_379 = vector.load %arg23[%get3A_377, %get3A_378] : memref<16x256xf32, #tpu.memory_space<vmem>>, vector<1x256xf32>
    %get3A_380 = arith.constant 1 : index
    %get3A_381 = arith.constant 0 : index
    %get3A_382 = arith.constant 0 : index
    %get3A_383 = vector.load %arg2[%get3A_380, %get3A_381, %get3A_382] : memref<4x2048x256xf32, #tpu.memory_space<vmem>>, vector<1x256x256xf32>
    %get3A_384 = vector.shape_cast %get3A_383 : vector<1x256x256xf32> to vector<256x256xf32>
    %get3A_385 = arith.constant 0 : index
    %get3A_386 = arith.constant 0 : index
    %get3A_387 = vector.load %arg12[%get3A_385, %get3A_386] : memref<2048x256xf32, #tpu.memory_space<vmem>>, vector<256x256xf32>
    %dot_general3A_388 = arith.constant dense<0.000000e+00> : vector<256x512xf32>
    %dot_general3A_389 = tpu.matmul %get3A_384, %get3A_10, %dot_general3A_388 {dimension_numbers = #tpu.dot_dimension_numbers<[1], [0], [0], [1], [0, 0, 1, 1], [], []>, transpose_lhs_hint = false} : vector<256x256xf32>, vector<256x512xf32>, vector<256x512xf32> -> vector<256x512xf32>
    %slice3A_390 = vector.extract_strided_slice %dot_general3A_389 {offsets = [0, 0], sizes = [256, 256], strides = [1, 1]} : vector<256x512xf32> to vector<256x256xf32>
    %add3A_391 = vector.broadcast %get3A_376 : vector<1x256xf32> to vector<256x256xf32>
    %add3A_392 = arith.addf %slice3A_390, %add3A_391 : vector<256x256xf32>
    %mul3A_393 = arith.mulf %add3A_392, %get3A_387 : vector<256x256xf32>
    %dot_general3A_394 = arith.constant dense<0.000000e+00> : vector<256x256xf32>
    %dot_general3A_395 = tpu.matmul %mul3A_393, %get3A_13, %dot_general3A_394 {dimension_numbers = #tpu.dot_dimension_numbers<[1], [0], [0], [1], [0, 0, 1, 1], [], []>, transpose_lhs_hint = false} : vector<256x256xf32>, vector<256x256xf32>, vector<256x256xf32> -> vector<256x256xf32>
    %slice3A_396 = vector.extract_strided_slice %dot_general3A_389 {offsets = [0, 256], sizes = [256, 256], strides = [1, 1]} : vector<256x512xf32> to vector<256x256xf32>
    %add3A_397 = arith.addf %dot_general3A_395, %slice3A_396 : vector<256x256xf32>
    %add3A_398 = vector.broadcast %get3A_379 : vector<1x256xf32> to vector<256x256xf32>
    %add3A_399 = arith.addf %add3A_397, %add3A_398 : vector<256x256xf32>
    %get3A_400 = arith.constant 0 : index
    %get3A_401 = arith.constant 0 : index
    %get3A_402 = vector.load %arg21[%get3A_400, %get3A_401] : memref<2048x256xf32, #tpu.memory_space<vmem>>, vector<256x256xf32>
    %add3A_403 = arith.addf %add3A_399, %get3A_402 : vector<256x256xf32>
    %max3A_404 = arith.constant 0.000000e+00 : f32
    %max3A_405 = vector.broadcast %max3A_404 : f32 to vector<256x256xf32>
    %max3A_406 = arith.maximumf %add3A_403, %max3A_405 : vector<256x256xf32>
    %broadcast_in_dim3A_407 = vector.shape_cast %get3A_15 : vector<256xf32> to vector<1x256xf32>
    %mul3A_408 = vector.broadcast %broadcast_in_dim3A_407 : vector<1x256xf32> to vector<256x256xf32>
    %mul3A_409 = arith.mulf %max3A_406, %mul3A_408 : vector<256x256xf32>
    %reduce_sum3A_410 = arith.constant dense<0.000000e+00> : vector<256xf32>
    %reduce_sum3A_411 = vector.multi_reduction <add>, %mul3A_409, %reduce_sum3A_410 [1] : vector<256x256xf32> to vector<256xf32>
    %get3A_412 = arith.constant 1 : index
    %get3A_413 = arith.constant 0 : index
    %get3A_414 = arith.constant 0 : index
    %get3A_415 = vector.load %arg18[%get3A_412, %get3A_413, %get3A_414] : memref<4x1x2048xf32, #tpu.memory_space<vmem>>, vector<1x1x256xf32>
    %get3A_416 = vector.shape_cast %get3A_415 : vector<1x1x256xf32> to vector<256xf32>
    %add3A_417 = arith.addf %reduce_sum3A_411, %get3A_416 : vector<256xf32>
    %swap3A_418 = arith.constant 1 : index
    %swap3A_419 = arith.constant 0 : index
    %swap3A_420 = arith.constant 0 : index
    %swap3A_421 = vector.load %arg19[%swap3A_418, %swap3A_419, %swap3A_420] : memref<4x1x2048xf32, #tpu.memory_space<vmem>>, vector<1x1x256xf32>
    %swap3A_422 = vector.shape_cast %swap3A_421 : vector<1x1x256xf32> to vector<256xf32>
    %swap3A_423 = vector.shape_cast %add3A_417 : vector<256xf32> to vector<1x1x256xf32>
    tpu.vector_store %arg19[%swap3A_418, %swap3A_419, %swap3A_420], %swap3A_423 {strides = array<i32>} : memref<4x1x2048xf32, #tpu.memory_space<vmem>>, vector<1x1x256xf32>,
    %get3A_424 = arith.constant 1 : index
    %get3A_425 = arith.constant 256 : index
    %get3A_426 = arith.constant 0 : index
    %get3A_427 = vector.load %arg2[%get3A_424, %get3A_425, %get3A_426] : memref<4x2048x256xf32, #tpu.memory_space<vmem>>, vector<1x256x256xf32>
    %get3A_428 = vector.shape_cast %get3A_427 : vector<1x256x256xf32> to vector<256x256xf32>
    %get3A_429 = arith.constant 256 : index
    %get3A_430 = arith.constant 0 : index
    %get3A_431 = vector.load %arg12[%get3A_429, %get3A_430] : memref<2048x256xf32, #tpu.memory_space<vmem>>, vector<256x256xf32>
    %dot_general3A_432 = arith.constant dense<0.000000e+00> : vector<256x512xf32>
    %dot_general3A_433 = tpu.matmul %get3A_428, %get3A_10, %dot_general3A_432 {dimension_numbers = #tpu.dot_dimension_numbers<[1], [0], [0], [1], [0, 0, 1, 1], [], []>, transpose_lhs_hint = false} : vector<256x256xf32>, vector<256x512xf32>, vector<256x512xf32> -> vector<256x512xf32>
    %slice3A_434 = vector.extract_strided_slice %dot_general3A_433 {offsets = [0, 0], sizes = [256, 256], strides = [1, 1]} : vector<256x512xf32> to vector<256x256xf32>
    %add3A_435 = vector.broadcast %get3A_376 : vector<1x256xf32> to vector<256x256xf32>
    %add3A_436 = arith.addf %slice3A_434, %add3A_435 : vector<256x256xf32>
    %mul3A_437 = arith.mulf %add3A_436, %get3A_431 : vector<256x256xf32>
    %dot_general3A_438 = arith.constant dense<0.000000e+00> : vector<256x256xf32>
    %dot_general3A_439 = tpu.matmul %mul3A_437, %get3A_13, %dot_general3A_438 {dimension_numbers = #tpu.dot_dimension_numbers<[1], [0], [0], [1], [0, 0, 1, 1], [], []>, transpose_lhs_hint = false} : vector<256x256xf32>, vector<256x256xf32>, vector<256x256xf32> -> vector<256x256xf32>
    %slice3A_440 = vector.extract_strided_slice %dot_general3A_433 {offsets = [0, 256], sizes = [256, 256], strides = [1, 1]} : vector<256x512xf32> to vector<256x256xf32>
    %add3A_441 = arith.addf %dot_general3A_439, %slice3A_440 : vector<256x256xf32>
    %add3A_442 = vector.broadcast %get3A_379 : vector<1x256xf32> to vector<256x256xf32>
    %add3A_443 = arith.addf %add3A_441, %add3A_442 : vector<256x256xf32>
    %get3A_444 = arith.constant 256 : index
    %get3A_445 = arith.constant 0 : index
    %get3A_446 = vector.load %arg21[%get3A_444, %get3A_445] : memref<2048x256xf32, #tpu.memory_space<vmem>>, vector<256x256xf32>
    %add3A_447 = arith.addf %add3A_443, %get3A_446 : vector<256x256xf32>
    %max3A_448 = arith.constant 0.000000e+00 : f32
    %max3A_449 = vector.broadcast %max3A_448 : f32 to vector<256x256xf32>
    %max3A_450 = arith.maximumf %add3A_447, %max3A_449 : vector<256x256xf32>
    %broadcast_in_dim3A_451 = vector.shape_cast %get3A_15 : vector<256xf32> to vector<1x256xf32>
    %mul3A_452 = vector.broadcast %broadcast_in_dim3A_451 : vector<1x256xf32> to vector<256x256xf32>
    %mul3A_453 = arith.mulf %max3A_450, %mul3A_452 : vector<256x256xf32>
    %reduce_sum3A_454 = arith.constant dense<0.000000e+00> : vector<256xf32>
    %reduce_sum3A_455 = vector.multi_reduction <add>, %mul3A_453, %reduce_sum3A_454 [1] : vector<256x256xf32> to vector<256xf32>
    %get3A_456 = arith.constant 1 : index
    %get3A_457 = arith.constant 0 : index
    %get3A_458 = arith.constant 256 : index
    %get3A_459 = vector.load %arg18[%get3A_456, %get3A_457, %get3A_458] : memref<4x1x2048xf32, #tpu.memory_space<vmem>>, vector<1x1x256xf32>
    %get3A_460 = vector.shape_cast %get3A_459 : vector<1x1x256xf32> to vector<256xf32>
    %add3A_461 = arith.addf %reduce_sum3A_455, %get3A_460 : vector<256xf32>
    %swap3A_462 = arith.constant 1 : index
    %swap3A_463 = arith.constant 0 : index
    %swap3A_464 = arith.constant 256 : index
    %swap3A_465 = vector.load %arg19[%swap3A_462, %swap3A_463, %swap3A_464] : memref<4x1x2048xf32, #tpu.memory_space<vmem>>, vector<1x1x256xf32>
    %swap3A_466 = vector.shape_cast %swap3A_465 : vector<1x1x256xf32> to vector<256xf32>
    %swap3A_467 = vector.shape_cast %add3A_461 : vector<256xf32> to vector<1x1x256xf32>
    tpu.vector_store %arg19[%swap3A_462, %swap3A_463, %swap3A_464], %swap3A_467 {strides = array<i32>} : memref<4x1x2048xf32, #tpu.memory_space<vmem>>, vector<1x1x256xf32>,
    %get3A_468 = arith.constant 1 : index
    %get3A_469 = arith.constant 512 : index
    %get3A_470 = arith.constant 0 : index
    %get3A_471 = vector.load %arg2[%get3A_468, %get3A_469, %get3A_470] : memref<4x2048x256xf32, #tpu.memory_space<vmem>>, vector<1x256x256xf32>
    %get3A_472 = vector.shape_cast %get3A_471 : vector<1x256x256xf32> to vector<256x256xf32>
    %get3A_473 = arith.constant 512 : index
    %get3A_474 = arith.constant 0 : index
    %get3A_475 = vector.load %arg12[%get3A_473, %get3A_474] : memref<2048x256xf32, #tpu.memory_space<vmem>>, vector<256x256xf32>
    %dot_general3A_476 = arith.constant dense<0.000000e+00> : vector<256x512xf32>
    %dot_general3A_477 = tpu.matmul %get3A_472, %get3A_10, %dot_general3A_476 {dimension_numbers = #tpu.dot_dimension_numbers<[1], [0], [0], [1], [0, 0, 1, 1], [], []>, transpose_lhs_hint = false} : vector<256x256xf32>, vector<256x512xf32>, vector<256x512xf32> -> vector<256x512xf32>
    %slice3A_478 = vector.extract_strided_slice %dot_general3A_477 {offsets = [0, 0], sizes = [256, 256], strides = [1, 1]} : vector<256x512xf32> to vector<256x256xf32>
    %add3A_479 = vector.broadcast %get3A_376 : vector<1x256xf32> to vector<256x256xf32>
    %add3A_480 = arith.addf %slice3A_478, %add3A_479 : vector<256x256xf32>
    %mul3A_481 = arith.mulf %add3A_480, %get3A_475 : vector<256x256xf32>
    %dot_general3A_482 = arith.constant dense<0.000000e+00> : vector<256x256xf32>
    %dot_general3A_483 = tpu.matmul %mul3A_481, %get3A_13, %dot_general3A_482 {dimension_numbers = #tpu.dot_dimension_numbers<[1], [0], [0], [1], [0, 0, 1, 1], [], []>, transpose_lhs_hint = false} : vector<256x256xf32>, vector<256x256xf32>, vector<256x256xf32> -> vector<256x256xf32>
    %slice3A_484 = vector.extract_strided_slice %dot_general3A_477 {offsets = [0, 256], sizes = [256, 256], strides = [1, 1]} : vector<256x512xf32> to vector<256x256xf32>
    %add3A_485 = arith.addf %dot_general3A_483, %slice3A_484 : vector<256x256xf32>
    %add3A_486 = vector.broadcast %get3A_379 : vector<1x256xf32> to vector<256x256xf32>
    %add3A_487 = arith.addf %add3A_485, %add3A_486 : vector<256x256xf32>
    %get3A_488 = arith.constant 512 : index
    %get3A_489 = arith.constant 0 : index
    %get3A_490 = vector.load %arg21[%get3A_488, %get3A_489] : memref<2048x256xf32, #tpu.memory_space<vmem>>, vector<256x256xf32>
    %add3A_491 = arith.addf %add3A_487, %get3A_490 : vector<256x256xf32>
    %max3A_492 = arith.constant 0.000000e+00 : f32
    %max3A_493 = vector.broadcast %max3A_492 : f32 to vector<256x256xf32>
    %max3A_494 = arith.maximumf %add3A_491, %max3A_493 : vector<256x256xf32>
    %broadcast_in_dim3A_495 = vector.shape_cast %get3A_15 : vector<256xf32> to vector<1x256xf32>
    %mul3A_496 = vector.broadcast %broadcast_in_dim3A_495 : vector<1x256xf32> to vector<256x256xf32>
    %mul3A_497 = arith.mulf %max3A_494, %mul3A_496 : vector<256x256xf32>
    %reduce_sum3A_498 = arith.constant dense<0.000000e+00> : vector<256xf32>
    %reduce_sum3A_499 = vector.multi_reduction <add>, %mul3A_497, %reduce_sum3A_498 [1] : vector<256x256xf32> to vector<256xf32>
    %get3A_500 = arith.constant 1 : index
    %get3A_501 = arith.constant 0 : index
    %get3A_502 = arith.constant 512 : index
    %get3A_503 = vector.load %arg18[%get3A_500, %get3A_501, %get3A_502] : memref<4x1x2048xf32, #tpu.memory_space<vmem>>, vector<1x1x256xf32>
    %get3A_504 = vector.shape_cast %get3A_503 : vector<1x1x256xf32> to vector<256xf32>
    %add3A_505 = arith.addf %reduce_sum3A_499, %get3A_504 : vector<256xf32>
    %swap3A_506 = arith.constant 1 : index
    %swap3A_507 = arith.constant 0 : index
    %swap3A_508 = arith.constant 512 : index
    %swap3A_509 = vector.load %arg19[%swap3A_506, %swap3A_507, %swap3A_508] : memref<4x1x2048xf32, #tpu.memory_space<vmem>>, vector<1x1x256xf32>
    %swap3A_510 = vector.shape_cast %swap3A_509 : vector<1x1x256xf32> to vector<256xf32>
    %swap3A_511 = vector.shape_cast %add3A_505 : vector<256xf32> to vector<1x1x256xf32>
    tpu.vector_store %arg19[%swap3A_506, %swap3A_507, %swap3A_508], %swap3A_511 {strides = array<i32>} : memref<4x1x2048xf32, #tpu.memory_space<vmem>>, vector<1x1x256xf32>,
    %get3A_512 = arith.constant 1 : index
    %get3A_513 = arith.constant 768 : index
    %get3A_514 = arith.constant 0 : index
    %get3A_515 = vector.load %arg2[%get3A_512, %get3A_513, %get3A_514] : memref<4x2048x256xf32, #tpu.memory_space<vmem>>, vector<1x256x256xf32>
    %get3A_516 = vector.shape_cast %get3A_515 : vector<1x256x256xf32> to vector<256x256xf32>
    %get3A_517 = arith.constant 768 : index
    %get3A_518 = arith.constant 0 : index
    %get3A_519 = vector.load %arg12[%get3A_517, %get3A_518] : memref<2048x256xf32, #tpu.memory_space<vmem>>, vector<256x256xf32>
    %dot_general3A_520 = arith.constant dense<0.000000e+00> : vector<256x512xf32>
    %dot_general3A_521 = tpu.matmul %get3A_516, %get3A_10, %dot_general3A_520 {dimension_numbers = #tpu.dot_dimension_numbers<[1], [0], [0], [1], [0, 0, 1, 1], [], []>, transpose_lhs_hint = false} : vector<256x256xf32>, vector<256x512xf32>, vector<256x512xf32> -> vector<256x512xf32>
    %slice3A_522 = vector.extract_strided_slice %dot_general3A_521 {offsets = [0, 0], sizes = [256, 256], strides = [1, 1]} : vector<256x512xf32> to vector<256x256xf32>
    %add3A_523 = vector.broadcast %get3A_376 : vector<1x256xf32> to vector<256x256xf32>
    %add3A_524 = arith.addf %slice3A_522, %add3A_523 : vector<256x256xf32>
    %mul3A_525 = arith.mulf %add3A_524, %get3A_519 : vector<256x256xf32>
    %dot_general3A_526 = arith.constant dense<0.000000e+00> : vector<256x256xf32>
    %dot_general3A_527 = tpu.matmul %mul3A_525, %get3A_13, %dot_general3A_526 {dimension_numbers = #tpu.dot_dimension_numbers<[1], [0], [0], [1], [0, 0, 1, 1], [], []>, transpose_lhs_hint = false} : vector<256x256xf32>, vector<256x256xf32>, vector<256x256xf32> -> vector<256x256xf32>
    %slice3A_528 = vector.extract_strided_slice %dot_general3A_521 {offsets = [0, 256], sizes = [256, 256], strides = [1, 1]} : vector<256x512xf32> to vector<256x256xf32>
    %add3A_529 = arith.addf %dot_general3A_527, %slice3A_528 : vector<256x256xf32>
    %add3A_530 = vector.broadcast %get3A_379 : vector<1x256xf32> to vector<256x256xf32>
    %add3A_531 = arith.addf %add3A_529, %add3A_530 : vector<256x256xf32>
    %get3A_532 = arith.constant 768 : index
    %get3A_533 = arith.constant 0 : index
    %get3A_534 = vector.load %arg21[%get3A_532, %get3A_533] : memref<2048x256xf32, #tpu.memory_space<vmem>>, vector<256x256xf32>
    %add3A_535 = arith.addf %add3A_531, %get3A_534 : vector<256x256xf32>
    %max3A_536 = arith.constant 0.000000e+00 : f32
    %max3A_537 = vector.broadcast %max3A_536 : f32 to vector<256x256xf32>
    %max3A_538 = arith.maximumf %add3A_535, %max3A_537 : vector<256x256xf32>
    %broadcast_in_dim3A_539 = vector.shape_cast %get3A_15 : vector<256xf32> to vector<1x256xf32>
    %mul3A_540 = vector.broadcast %broadcast_in_dim3A_539 : vector<1x256xf32> to vector<256x256xf32>
    %mul3A_541 = arith.mulf %max3A_538, %mul3A_540 : vector<256x256xf32>
    %reduce_sum3A_542 = arith.constant dense<0.000000e+00> : vector<256xf32>
    %reduce_sum3A_543 = vector.multi_reduction <add>, %mul3A_541, %reduce_sum3A_542 [1] : vector<256x256xf32> to vector<256xf32>
    %get3A_544 = arith.constant 1 : index
    %get3A_545 = arith.constant 0 : index
    %get3A_546 = arith.constant 768 : index
    %get3A_547 = vector.load %arg18[%get3A_544, %get3A_545, %get3A_546] : memref<4x1x2048xf32, #tpu.memory_space<vmem>>, vector<1x1x256xf32>
    %get3A_548 = vector.shape_cast %get3A_547 : vector<1x1x256xf32> to vector<256xf32>
    %add3A_549 = arith.addf %reduce_sum3A_543, %get3A_548 : vector<256xf32>
    %swap3A_550 = arith.constant 1 : index
    %swap3A_551 = arith.constant 0 : index
    %swap3A_552 = arith.constant 768 : index
    %swap3A_553 = vector.load %arg19[%swap3A_550, %swap3A_551, %swap3A_552] : memref<4x1x2048xf32, #tpu.memory_space<vmem>>, vector<1x1x256xf32>
    %swap3A_554 = vector.shape_cast %swap3A_553 : vector<1x1x256xf32> to vector<256xf32>
    %swap3A_555 = vector.shape_cast %add3A_549 : vector<256xf32> to vector<1x1x256xf32>
    tpu.vector_store %arg19[%swap3A_550, %swap3A_551, %swap3A_552], %swap3A_555 {strides = array<i32>} : memref<4x1x2048xf32, #tpu.memory_space<vmem>>, vector<1x1x256xf32>,
    %get3A_556 = arith.constant 1 : index
    %get3A_557 = arith.constant 1024 : index
    %get3A_558 = arith.constant 0 : index
    %get3A_559 = vector.load %arg2[%get3A_556, %get3A_557, %get3A_558] : memref<4x2048x256xf32, #tpu.memory_space<vmem>>, vector<1x256x256xf32>
    %get3A_560 = vector.shape_cast %get3A_559 : vector<1x256x256xf32> to vector<256x256xf32>
    %get3A_561 = arith.constant 1024 : index
    %get3A_562 = arith.constant 0 : index
    %get3A_563 = vector.load %arg12[%get3A_561, %get3A_562] : memref<2048x256xf32, #tpu.memory_space<vmem>>, vector<256x256xf32>
    %dot_general3A_564 = arith.constant dense<0.000000e+00> : vector<256x512xf32>
    %dot_general3A_565 = tpu.matmul %get3A_560, %get3A_10, %dot_general3A_564 {dimension_numbers = #tpu.dot_dimension_numbers<[1], [0], [0], [1], [0, 0, 1, 1], [], []>, transpose_lhs_hint = false} : vector<256x256xf32>, vector<256x512xf32>, vector<256x512xf32> -> vector<256x512xf32>
    %slice3A_566 = vector.extract_strided_slice %dot_general3A_565 {offsets = [0, 0], sizes = [256, 256], strides = [1, 1]} : vector<256x512xf32> to vector<256x256xf32>
    %add3A_567 = vector.broadcast %get3A_376 : vector<1x256xf32> to vector<256x256xf32>
    %add3A_568 = arith.addf %slice3A_566, %add3A_567 : vector<256x256xf32>
    %mul3A_569 = arith.mulf %add3A_568, %get3A_563 : vector<256x256xf32>
    %dot_general3A_570 = arith.constant dense<0.000000e+00> : vector<256x256xf32>
    %dot_general3A_571 = tpu.matmul %mul3A_569, %get3A_13, %dot_general3A_570 {dimension_numbers = #tpu.dot_dimension_numbers<[1], [0], [0], [1], [0, 0, 1, 1], [], []>, transpose_lhs_hint = false} : vector<256x256xf32>, vector<256x256xf32>, vector<256x256xf32> -> vector<256x256xf32>
    %slice3A_572 = vector.extract_strided_slice %dot_general3A_565 {offsets = [0, 256], sizes = [256, 256], strides = [1, 1]} : vector<256x512xf32> to vector<256x256xf32>
    %add3A_573 = arith.addf %dot_general3A_571, %slice3A_572 : vector<256x256xf32>
    %add3A_574 = vector.broadcast %get3A_379 : vector<1x256xf32> to vector<256x256xf32>
    %add3A_575 = arith.addf %add3A_573, %add3A_574 : vector<256x256xf32>
    %get3A_576 = arith.constant 1024 : index
    %get3A_577 = arith.constant 0 : index
    %get3A_578 = vector.load %arg21[%get3A_576, %get3A_577] : memref<2048x256xf32, #tpu.memory_space<vmem>>, vector<256x256xf32>
    %add3A_579 = arith.addf %add3A_575, %get3A_578 : vector<256x256xf32>
    %max3A_580 = arith.constant 0.000000e+00 : f32
    %max3A_581 = vector.broadcast %max3A_580 : f32 to vector<256x256xf32>
    %max3A_582 = arith.maximumf %add3A_579, %max3A_581 : vector<256x256xf32>
    %broadcast_in_dim3A_583 = vector.shape_cast %get3A_15 : vector<256xf32> to vector<1x256xf32>
    %mul3A_584 = vector.broadcast %broadcast_in_dim3A_583 : vector<1x256xf32> to vector<256x256xf32>
    %mul3A_585 = arith.mulf %max3A_582, %mul3A_584 : vector<256x256xf32>
    %reduce_sum3A_586 = arith.constant dense<0.000000e+00> : vector<256xf32>
    %reduce_sum3A_587 = vector.multi_reduction <add>, %mul3A_585, %reduce_sum3A_586 [1] : vector<256x256xf32> to vector<256xf32>
    %get3A_588 = arith.constant 1 : index
    %get3A_589 = arith.constant 0 : index
    %get3A_590 = arith.constant 1024 : index
    %get3A_591 = vector.load %arg18[%get3A_588, %get3A_589, %get3A_590] : memref<4x1x2048xf32, #tpu.memory_space<vmem>>, vector<1x1x256xf32>
    %get3A_592 = vector.shape_cast %get3A_591 : vector<1x1x256xf32> to vector<256xf32>
    %add3A_593 = arith.addf %reduce_sum3A_587, %get3A_592 : vector<256xf32>
    %swap3A_594 = arith.constant 1 : index
    %swap3A_595 = arith.constant 0 : index
    %swap3A_596 = arith.constant 1024 : index
    %swap3A_597 = vector.load %arg19[%swap3A_594, %swap3A_595, %swap3A_596] : memref<4x1x2048xf32, #tpu.memory_space<vmem>>, vector<1x1x256xf32>
    %swap3A_598 = vector.shape_cast %swap3A_597 : vector<1x1x256xf32> to vector<256xf32>
    %swap3A_599 = vector.shape_cast %add3A_593 : vector<256xf32> to vector<1x1x256xf32>
    tpu.vector_store %arg19[%swap3A_594, %swap3A_595, %swap3A_596], %swap3A_599 {strides = array<i32>} : memref<4x1x2048xf32, #tpu.memory_space<vmem>>, vector<1x1x256xf32>,
    %get3A_600 = arith.constant 1 : index
    %get3A_601 = arith.constant 1280 : index
    %get3A_602 = arith.constant 0 : index
    %get3A_603 = vector.load %arg2[%get3A_600, %get3A_601, %get3A_602] : memref<4x2048x256xf32, #tpu.memory_space<vmem>>, vector<1x256x256xf32>
    %get3A_604 = vector.shape_cast %get3A_603 : vector<1x256x256xf32> to vector<256x256xf32>
    %get3A_605 = arith.constant 1280 : index
    %get3A_606 = arith.constant 0 : index
    %get3A_607 = vector.load %arg12[%get3A_605, %get3A_606] : memref<2048x256xf32, #tpu.memory_space<vmem>>, vector<256x256xf32>
    %dot_general3A_608 = arith.constant dense<0.000000e+00> : vector<256x512xf32>
    %dot_general3A_609 = tpu.matmul %get3A_604, %get3A_10, %dot_general3A_608 {dimension_numbers = #tpu.dot_dimension_numbers<[1], [0], [0], [1], [0, 0, 1, 1], [], []>, transpose_lhs_hint = false} : vector<256x256xf32>, vector<256x512xf32>, vector<256x512xf32> -> vector<256x512xf32>
    %slice3A_610 = vector.extract_strided_slice %dot_general3A_609 {offsets = [0, 0], sizes = [256, 256], strides = [1, 1]} : vector<256x512xf32> to vector<256x256xf32>
    %add3A_611 = vector.broadcast %get3A_376 : vector<1x256xf32> to vector<256x256xf32>
    %add3A_612 = arith.addf %slice3A_610, %add3A_611 : vector<256x256xf32>
    %mul3A_613 = arith.mulf %add3A_612, %get3A_607 : vector<256x256xf32>
    %dot_general3A_614 = arith.constant dense<0.000000e+00> : vector<256x256xf32>
    %dot_general3A_615 = tpu.matmul %mul3A_613, %get3A_13, %dot_general3A_614 {dimension_numbers = #tpu.dot_dimension_numbers<[1], [0], [0], [1], [0, 0, 1, 1], [], []>, transpose_lhs_hint = false} : vector<256x256xf32>, vector<256x256xf32>, vector<256x256xf32> -> vector<256x256xf32>
    %slice3A_616 = vector.extract_strided_slice %dot_general3A_609 {offsets = [0, 256], sizes = [256, 256], strides = [1, 1]} : vector<256x512xf32> to vector<256x256xf32>
    %add3A_617 = arith.addf %dot_general3A_615, %slice3A_616 : vector<256x256xf32>
    %add3A_618 = vector.broadcast %get3A_379 : vector<1x256xf32> to vector<256x256xf32>
    %add3A_619 = arith.addf %add3A_617, %add3A_618 : vector<256x256xf32>
    %get3A_620 = arith.constant 1280 : index
    %get3A_621 = arith.constant 0 : index
    %get3A_622 = vector.load %arg21[%get3A_620, %get3A_621] : memref<2048x256xf32, #tpu.memory_space<vmem>>, vector<256x256xf32>
    %add3A_623 = arith.addf %add3A_619, %get3A_622 : vector<256x256xf32>
    %max3A_624 = arith.constant 0.000000e+00 : f32
    %max3A_625 = vector.broadcast %max3A_624 : f32 to vector<256x256xf32>
    %max3A_626 = arith.maximumf %add3A_623, %max3A_625 : vector<256x256xf32>
    %broadcast_in_dim3A_627 = vector.shape_cast %get3A_15 : vector<256xf32> to vector<1x256xf32>
    %mul3A_628 = vector.broadcast %broadcast_in_dim3A_627 : vector<1x256xf32> to vector<256x256xf32>
    %mul3A_629 = arith.mulf %max3A_626, %mul3A_628 : vector<256x256xf32>
    %reduce_sum3A_630 = arith.constant dense<0.000000e+00> : vector<256xf32>
    %reduce_sum3A_631 = vector.multi_reduction <add>, %mul3A_629, %reduce_sum3A_630 [1] : vector<256x256xf32> to vector<256xf32>
    %get3A_632 = arith.constant 1 : index
    %get3A_633 = arith.constant 0 : index
    %get3A_634 = arith.constant 1280 : index
    %get3A_635 = vector.load %arg18[%get3A_632, %get3A_633, %get3A_634] : memref<4x1x2048xf32, #tpu.memory_space<vmem>>, vector<1x1x256xf32>
    %get3A_636 = vector.shape_cast %get3A_635 : vector<1x1x256xf32> to vector<256xf32>
    %add3A_637 = arith.addf %reduce_sum3A_631, %get3A_636 : vector<256xf32>
    %swap3A_638 = arith.constant 1 : index
    %swap3A_639 = arith.constant 0 : index
    %swap3A_640 = arith.constant 1280 : index
    %swap3A_641 = vector.load %arg19[%swap3A_638, %swap3A_639, %swap3A_640] : memref<4x1x2048xf32, #tpu.memory_space<vmem>>, vector<1x1x256xf32>
    %swap3A_642 = vector.shape_cast %swap3A_641 : vector<1x1x256xf32> to vector<256xf32>
    %swap3A_643 = vector.shape_cast %add3A_637 : vector<256xf32> to vector<1x1x256xf32>
    tpu.vector_store %arg19[%swap3A_638, %swap3A_639, %swap3A_640], %swap3A_643 {strides = array<i32>} : memref<4x1x2048xf32, #tpu.memory_space<vmem>>, vector<1x1x256xf32>,
    %get3A_644 = arith.constant 1 : index
    %get3A_645 = arith.constant 1536 : index
    %get3A_646 = arith.constant 0 : index
    %get3A_647 = vector.load %arg2[%get3A_644, %get3A_645, %get3A_646] : memref<4x2048x256xf32, #tpu.memory_space<vmem>>, vector<1x256x256xf32>
    %get3A_648 = vector.shape_cast %get3A_647 : vector<1x256x256xf32> to vector<256x256xf32>
    %get3A_649 = arith.constant 1536 : index
    %get3A_650 = arith.constant 0 : index
    %get3A_651 = vector.load %arg12[%get3A_649, %get3A_650] : memref<2048x256xf32, #tpu.memory_space<vmem>>, vector<256x256xf32>
    %dot_general3A_652 = arith.constant dense<0.000000e+00> : vector<256x512xf32>
    %dot_general3A_653 = tpu.matmul %get3A_648, %get3A_10, %dot_general3A_652 {dimension_numbers = #tpu.dot_dimension_numbers<[1], [0], [0], [1], [0, 0, 1, 1], [], []>, transpose_lhs_hint = false} : vector<256x256xf32>, vector<256x512xf32>, vector<256x512xf32> -> vector<256x512xf32>
    %slice3A_654 = vector.extract_strided_slice %dot_general3A_653 {offsets = [0, 0], sizes = [256, 256], strides = [1, 1]} : vector<256x512xf32> to vector<256x256xf32>
    %add3A_655 = vector.broadcast %get3A_376 : vector<1x256xf32> to vector<256x256xf32>
    %add3A_656 = arith.addf %slice3A_654, %add3A_655 : vector<256x256xf32>
    %mul3A_657 = arith.mulf %add3A_656, %get3A_651 : vector<256x256xf32>
    %dot_general3A_658 = arith.constant dense<0.000000e+00> : vector<256x256xf32>
    %dot_general3A_659 = tpu.matmul %mul3A_657, %get3A_13, %dot_general3A_658 {dimension_numbers = #tpu.dot_dimension_numbers<[1], [0], [0], [1], [0, 0, 1, 1], [], []>, transpose_lhs_hint = false} : vector<256x256xf32>, vector<256x256xf32>, vector<256x256xf32> -> vector<256x256xf32>
    %slice3A_660 = vector.extract_strided_slice %dot_general3A_653 {offsets = [0, 256], sizes = [256, 256], strides = [1, 1]} : vector<256x512xf32> to vector<256x256xf32>
    %add3A_661 = arith.addf %dot_general3A_659, %slice3A_660 : vector<256x256xf32>
    %add3A_662 = vector.broadcast %get3A_379 : vector<1x256xf32> to vector<256x256xf32>
    %add3A_663 = arith.addf %add3A_661, %add3A_662 : vector<256x256xf32>
    %get3A_664 = arith.constant 1536 : index
    %get3A_665 = arith.constant 0 : index
    %get3A_666 = vector.load %arg21[%get3A_664, %get3A_665] : memref<2048x256xf32, #tpu.memory_space<vmem>>, vector<256x256xf32>
    %add3A_667 = arith.addf %add3A_663, %get3A_666 : vector<256x256xf32>
    %max3A_668 = arith.constant 0.000000e+00 : f32
    %max3A_669 = vector.broadcast %max3A_668 : f32 to vector<256x256xf32>
    %max3A_670 = arith.maximumf %add3A_667, %max3A_669 : vector<256x256xf32>
    %broadcast_in_dim3A_671 = vector.shape_cast %get3A_15 : vector<256xf32> to vector<1x256xf32>
    %mul3A_672 = vector.broadcast %broadcast_in_dim3A_671 : vector<1x256xf32> to vector<256x256xf32>
    %mul3A_673 = arith.mulf %max3A_670, %mul3A_672 : vector<256x256xf32>
    %reduce_sum3A_674 = arith.constant dense<0.000000e+00> : vector<256xf32>
    %reduce_sum3A_675 = vector.multi_reduction <add>, %mul3A_673, %reduce_sum3A_674 [1] : vector<256x256xf32> to vector<256xf32>
    %get3A_676 = arith.constant 1 : index
    %get3A_677 = arith.constant 0 : index
    %get3A_678 = arith.constant 1536 : index
    %get3A_679 = vector.load %arg18[%get3A_676, %get3A_677, %get3A_678] : memref<4x1x2048xf32, #tpu.memory_space<vmem>>, vector<1x1x256xf32>
    %get3A_680 = vector.shape_cast %get3A_679 : vector<1x1x256xf32> to vector<256xf32>
    %add3A_681 = arith.addf %reduce_sum3A_675, %get3A_680 : vector<256xf32>
    %swap3A_682 = arith.constant 1 : index
    %swap3A_683 = arith.constant 0 : index
    %swap3A_684 = arith.constant 1536 : index
    %swap3A_685 = vector.load %arg19[%swap3A_682, %swap3A_683, %swap3A_684] : memref<4x1x2048xf32, #tpu.memory_space<vmem>>, vector<1x1x256xf32>
    %swap3A_686 = vector.shape_cast %swap3A_685 : vector<1x1x256xf32> to vector<256xf32>
    %swap3A_687 = vector.shape_cast %add3A_681 : vector<256xf32> to vector<1x1x256xf32>
    tpu.vector_store %arg19[%swap3A_682, %swap3A_683, %swap3A_684], %swap3A_687 {strides = array<i32>} : memref<4x1x2048xf32, #tpu.memory_space<vmem>>, vector<1x1x256xf32>,
    %get3A_688 = arith.constant 1 : index
    %get3A_689 = arith.constant 1792 : index
    %get3A_690 = arith.constant 0 : index
    %get3A_691 = vector.load %arg2[%get3A_688, %get3A_689, %get3A_690] : memref<4x2048x256xf32, #tpu.memory_space<vmem>>, vector<1x256x256xf32>
    %get3A_692 = vector.shape_cast %get3A_691 : vector<1x256x256xf32> to vector<256x256xf32>
    %get3A_693 = arith.constant 1792 : index
    %get3A_694 = arith.constant 0 : index
    %get3A_695 = vector.load %arg12[%get3A_693, %get3A_694] : memref<2048x256xf32, #tpu.memory_space<vmem>>, vector<256x256xf32>
    %dot_general3A_696 = arith.constant dense<0.000000e+00> : vector<256x512xf32>
    %dot_general3A_697 = tpu.matmul %get3A_692, %get3A_10, %dot_general3A_696 {dimension_numbers = #tpu.dot_dimension_numbers<[1], [0], [0], [1], [0, 0, 1, 1], [], []>, transpose_lhs_hint = false} : vector<256x256xf32>, vector<256x512xf32>, vector<256x512xf32> -> vector<256x512xf32>
    %slice3A_698 = vector.extract_strided_slice %dot_general3A_697 {offsets = [0, 0], sizes = [256, 256], strides = [1, 1]} : vector<256x512xf32> to vector<256x256xf32>
    %add3A_699 = vector.broadcast %get3A_376 : vector<1x256xf32> to vector<256x256xf32>
    %add3A_700 = arith.addf %slice3A_698, %add3A_699 : vector<256x256xf32>
    %mul3A_701 = arith.mulf %add3A_700, %get3A_695 : vector<256x256xf32>
    %dot_general3A_702 = arith.constant dense<0.000000e+00> : vector<256x256xf32>
    %dot_general3A_703 = tpu.matmul %mul3A_701, %get3A_13, %dot_general3A_702 {dimension_numbers = #tpu.dot_dimension_numbers<[1], [0], [0], [1], [0, 0, 1, 1], [], []>, transpose_lhs_hint = false} : vector<256x256xf32>, vector<256x256xf32>, vector<256x256xf32> -> vector<256x256xf32>
    %slice3A_704 = vector.extract_strided_slice %dot_general3A_697 {offsets = [0, 256], sizes = [256, 256], strides = [1, 1]} : vector<256x512xf32> to vector<256x256xf32>
    %add3A_705 = arith.addf %dot_general3A_703, %slice3A_704 : vector<256x256xf32>
    %add3A_706 = vector.broadcast %get3A_379 : vector<1x256xf32> to vector<256x256xf32>
    %add3A_707 = arith.addf %add3A_705, %add3A_706 : vector<256x256xf32>
    %get3A_708 = arith.constant 1792 : index
    %get3A_709 = arith.constant 0 : index
    %get3A_710 = vector.load %arg21[%get3A_708, %get3A_709] : memref<2048x256xf32, #tpu.memory_space<vmem>>, vector<256x256xf32>
    %add3A_711 = arith.addf %add3A_707, %get3A_710 : vector<256x256xf32>
    %max3A_712 = arith.constant 0.000000e+00 : f32
    %max3A_713 = vector.broadcast %max3A_712 : f32 to vector<256x256xf32>
    %max3A_714 = arith.maximumf %add3A_711, %max3A_713 : vector<256x256xf32>
    %broadcast_in_dim3A_715 = vector.shape_cast %get3A_15 : vector<256xf32> to vector<1x256xf32>
    %mul3A_716 = vector.broadcast %broadcast_in_dim3A_715 : vector<1x256xf32> to vector<256x256xf32>
    %mul3A_717 = arith.mulf %max3A_714, %mul3A_716 : vector<256x256xf32>
    %reduce_sum3A_718 = arith.constant dense<0.000000e+00> : vector<256xf32>
    %reduce_sum3A_719 = vector.multi_reduction <add>, %mul3A_717, %reduce_sum3A_718 [1] : vector<256x256xf32> to vector<256xf32>
    %get3A_720 = arith.constant 1 : index
    %get3A_721 = arith.constant 0 : index
    %get3A_722 = arith.constant 1792 : index
    %get3A_723 = vector.load %arg18[%get3A_720, %get3A_721, %get3A_722] : memref<4x1x2048xf32, #tpu.memory_space<vmem>>, vector<1x1x256xf32>
    %get3A_724 = vector.shape_cast %get3A_723 : vector<1x1x256xf32> to vector<256xf32>
    %add3A_725 = arith.addf %reduce_sum3A_719, %get3A_724 : vector<256xf32>
    %swap3A_726 = arith.constant 1 : index
    %swap3A_727 = arith.constant 0 : index
    %swap3A_728 = arith.constant 1792 : index
    %swap3A_729 = vector.load %arg19[%swap3A_726, %swap3A_727, %swap3A_728] : memref<4x1x2048xf32, #tpu.memory_space<vmem>>, vector<1x1x256xf32>
    %swap3A_730 = vector.shape_cast %swap3A_729 : vector<1x1x256xf32> to vector<256xf32>
    %swap3A_731 = vector.shape_cast %add3A_725 : vector<256xf32> to vector<1x1x256xf32>
    tpu.vector_store %arg19[%swap3A_726, %swap3A_727, %swap3A_728], %swap3A_731 {strides = array<i32>} : memref<4x1x2048xf32, #tpu.memory_space<vmem>>, vector<1x1x256xf32>,
    %mul3A_732 = arith.constant 4 : i32
    %mul3A_733 = arith.muli %arg1, %mul3A_732 : i32
    %add3A_734 = arith.constant 2 : i32
    %add3A_735 = arith.addi %mul3A_733, %add3A_734 : i32
    %get3A_736 = arith.index_cast %add3A_735 : i32 to index
    %get3A_737 = arith.constant 0 : index
    %get3A_738 = vector.load %arg20[%get3A_736, %get3A_737] : memref<16x256xf32, #tpu.memory_space<vmem>>, vector<1x256xf32>
    %get3A_739 = arith.index_cast %add3A_735 : i32 to index
    %get3A_740 = arith.constant 0 : index
    %get3A_741 = vector.load %arg23[%get3A_739, %get3A_740] : memref<16x256xf32, #tpu.memory_space<vmem>>, vector<1x256xf32>
    %get3A_742 = arith.constant 2 : index
    %get3A_743 = arith.constant 0 : index
    %get3A_744 = arith.constant 0 : index
    %get3A_745 = vector.load %arg2[%get3A_742, %get3A_743, %get3A_744] : memref<4x2048x256xf32, #tpu.memory_space<vmem>>, vector<1x256x256xf32>
    %get3A_746 = vector.shape_cast %get3A_745 : vector<1x256x256xf32> to vector<256x256xf32>
    %get3A_747 = arith.constant 0 : index
    %get3A_748 = arith.constant 0 : index
    %get3A_749 = vector.load %arg12[%get3A_747, %get3A_748] : memref<2048x256xf32, #tpu.memory_space<vmem>>, vector<256x256xf32>
    %dot_general3A_750 = arith.constant dense<0.000000e+00> : vector<256x512xf32>
    %dot_general3A_751 = tpu.matmul %get3A_746, %get3A_10, %dot_general3A_750 {dimension_numbers = #tpu.dot_dimension_numbers<[1], [0], [0], [1], [0, 0, 1, 1], [], []>, transpose_lhs_hint = false} : vector<256x256xf32>, vector<256x512xf32>, vector<256x512xf32> -> vector<256x512xf32>
    %slice3A_752 = vector.extract_strided_slice %dot_general3A_751 {offsets = [0, 0], sizes = [256, 256], strides = [1, 1]} : vector<256x512xf32> to vector<256x256xf32>
    %add3A_753 = vector.broadcast %get3A_738 : vector<1x256xf32> to vector<256x256xf32>
    %add3A_754 = arith.addf %slice3A_752, %add3A_753 : vector<256x256xf32>
    %mul3A_755 = arith.mulf %add3A_754, %get3A_749 : vector<256x256xf32>
    %dot_general3A_756 = arith.constant dense<0.000000e+00> : vector<256x256xf32>
    %dot_general3A_757 = tpu.matmul %mul3A_755, %get3A_13, %dot_general3A_756 {dimension_numbers = #tpu.dot_dimension_numbers<[1], [0], [0], [1], [0, 0, 1, 1], [], []>, transpose_lhs_hint = false} : vector<256x256xf32>, vector<256x256xf32>, vector<256x256xf32> -> vector<256x256xf32>
    %slice3A_758 = vector.extract_strided_slice %dot_general3A_751 {offsets = [0, 256], sizes = [256, 256], strides = [1, 1]} : vector<256x512xf32> to vector<256x256xf32>
    %add3A_759 = arith.addf %dot_general3A_757, %slice3A_758 : vector<256x256xf32>
    %add3A_760 = vector.broadcast %get3A_741 : vector<1x256xf32> to vector<256x256xf32>
    %add3A_761 = arith.addf %add3A_759, %add3A_760 : vector<256x256xf32>
    %get3A_762 = arith.constant 0 : index
    %get3A_763 = arith.constant 0 : index
    %get3A_764 = vector.load %arg21[%get3A_762, %get3A_763] : memref<2048x256xf32, #tpu.memory_space<vmem>>, vector<256x256xf32>
    %add3A_765 = arith.addf %add3A_761, %get3A_764 : vector<256x256xf32>
    %max3A_766 = arith.constant 0.000000e+00 : f32
    %max3A_767 = vector.broadcast %max3A_766 : f32 to vector<256x256xf32>
    %max3A_768 = arith.maximumf %add3A_765, %max3A_767 : vector<256x256xf32>
    %broadcast_in_dim3A_769 = vector.shape_cast %get3A_15 : vector<256xf32> to vector<1x256xf32>
    %mul3A_770 = vector.broadcast %broadcast_in_dim3A_769 : vector<1x256xf32> to vector<256x256xf32>
    %mul3A_771 = arith.mulf %max3A_768, %mul3A_770 : vector<256x256xf32>
    %reduce_sum3A_772 = arith.constant dense<0.000000e+00> : vector<256xf32>
    %reduce_sum3A_773 = vector.multi_reduction <add>, %mul3A_771, %reduce_sum3A_772 [1] : vector<256x256xf32> to vector<256xf32>
    %get3A_774 = arith.constant 2 : index
    %get3A_775 = arith.constant 0 : index
    %get3A_776 = arith.constant 0 : index
    %get3A_777 = vector.load %arg18[%get3A_774, %get3A_775, %get3A_776] : memref<4x1x2048xf32, #tpu.memory_space<vmem>>, vector<1x1x256xf32>
    %get3A_778 = vector.shape_cast %get3A_777 : vector<1x1x256xf32> to vector<256xf32>
    %add3A_779 = arith.addf %reduce_sum3A_773, %get3A_778 : vector<256xf32>
    %swap3A_780 = arith.constant 2 : index
    %swap3A_781 = arith.constant 0 : index
    %swap3A_782 = arith.constant 0 : index
    %swap3A_783 = vector.load %arg19[%swap3A_780, %swap3A_781, %swap3A_782] : memref<4x1x2048xf32, #tpu.memory_space<vmem>>, vector<1x1x256xf32>
    %swap3A_784 = vector.shape_cast %swap3A_783 : vector<1x1x256xf32> to vector<256xf32>
    %swap3A_785 = vector.shape_cast %add3A_779 : vector<256xf32> to vector<1x1x256xf32>
    tpu.vector_store %arg19[%swap3A_780, %swap3A_781, %swap3A_782], %swap3A_785 {strides = array<i32>} : memref<4x1x2048xf32, #tpu.memory_space<vmem>>, vector<1x1x256xf32>,
    %get3A_786 = arith.constant 2 : index
    %get3A_787 = arith.constant 256 : index
    %get3A_788 = arith.constant 0 : index
    %get3A_789 = vector.load %arg2[%get3A_786, %get3A_787, %get3A_788] : memref<4x2048x256xf32, #tpu.memory_space<vmem>>, vector<1x256x256xf32>
    %get3A_790 = vector.shape_cast %get3A_789 : vector<1x256x256xf32> to vector<256x256xf32>
    %get3A_791 = arith.constant 256 : index
    %get3A_792 = arith.constant 0 : index
    %get3A_793 = vector.load %arg12[%get3A_791, %get3A_792] : memref<2048x256xf32, #tpu.memory_space<vmem>>, vector<256x256xf32>
    %dot_general3A_794 = arith.constant dense<0.000000e+00> : vector<256x512xf32>
    %dot_general3A_795 = tpu.matmul %get3A_790, %get3A_10, %dot_general3A_794 {dimension_numbers = #tpu.dot_dimension_numbers<[1], [0], [0], [1], [0, 0, 1, 1], [], []>, transpose_lhs_hint = false} : vector<256x256xf32>, vector<256x512xf32>, vector<256x512xf32> -> vector<256x512xf32>
    %slice3A_796 = vector.extract_strided_slice %dot_general3A_795 {offsets = [0, 0], sizes = [256, 256], strides = [1, 1]} : vector<256x512xf32> to vector<256x256xf32>
    %add3A_797 = vector.broadcast %get3A_738 : vector<1x256xf32> to vector<256x256xf32>
    %add3A_798 = arith.addf %slice3A_796, %add3A_797 : vector<256x256xf32>
    %mul3A_799 = arith.mulf %add3A_798, %get3A_793 : vector<256x256xf32>
    %dot_general3A_800 = arith.constant dense<0.000000e+00> : vector<256x256xf32>
    %dot_general3A_801 = tpu.matmul %mul3A_799, %get3A_13, %dot_general3A_800 {dimension_numbers = #tpu.dot_dimension_numbers<[1], [0], [0], [1], [0, 0, 1, 1], [], []>, transpose_lhs_hint = false} : vector<256x256xf32>, vector<256x256xf32>, vector<256x256xf32> -> vector<256x256xf32>
    %slice3A_802 = vector.extract_strided_slice %dot_general3A_795 {offsets = [0, 256], sizes = [256, 256], strides = [1, 1]} : vector<256x512xf32> to vector<256x256xf32>
    %add3A_803 = arith.addf %dot_general3A_801, %slice3A_802 : vector<256x256xf32>
    %add3A_804 = vector.broadcast %get3A_741 : vector<1x256xf32> to vector<256x256xf32>
    %add3A_805 = arith.addf %add3A_803, %add3A_804 : vector<256x256xf32>
    %get3A_806 = arith.constant 256 : index
    %get3A_807 = arith.constant 0 : index
    %get3A_808 = vector.load %arg21[%get3A_806, %get3A_807] : memref<2048x256xf32, #tpu.memory_space<vmem>>, vector<256x256xf32>
    %add3A_809 = arith.addf %add3A_805, %get3A_808 : vector<256x256xf32>
    %max3A_810 = arith.constant 0.000000e+00 : f32
    %max3A_811 = vector.broadcast %max3A_810 : f32 to vector<256x256xf32>
    %max3A_812 = arith.maximumf %add3A_809, %max3A_811 : vector<256x256xf32>
    %broadcast_in_dim3A_813 = vector.shape_cast %get3A_15 : vector<256xf32> to vector<1x256xf32>
    %mul3A_814 = vector.broadcast %broadcast_in_dim3A_813 : vector<1x256xf32> to vector<256x256xf32>
    %mul3A_815 = arith.mulf %max3A_812, %mul3A_814 : vector<256x256xf32>
    %reduce_sum3A_816 = arith.constant dense<0.000000e+00> : vector<256xf32>
    %reduce_sum3A_817 = vector.multi_reduction <add>, %mul3A_815, %reduce_sum3A_816 [1] : vector<256x256xf32> to vector<256xf32>
    %get3A_818 = arith.constant 2 : index
    %get3A_819 = arith.constant 0 : index
    %get3A_820 = arith.constant 256 : index
    %get3A_821 = vector.load %arg18[%get3A_818, %get3A_819, %get3A_820] : memref<4x1x2048xf32, #tpu.memory_space<vmem>>, vector<1x1x256xf32>
    %get3A_822 = vector.shape_cast %get3A_821 : vector<1x1x256xf32> to vector<256xf32>
    %add3A_823 = arith.addf %reduce_sum3A_817, %get3A_822 : vector<256xf32>
    %swap3A_824 = arith.constant 2 : index
    %swap3A_825 = arith.constant 0 : index
    %swap3A_826 = arith.constant 256 : index
    %swap3A_827 = vector.load %arg19[%swap3A_824, %swap3A_825, %swap3A_826] : memref<4x1x2048xf32, #tpu.memory_space<vmem>>, vector<1x1x256xf32>
    %swap3A_828 = vector.shape_cast %swap3A_827 : vector<1x1x256xf32> to vector<256xf32>
    %swap3A_829 = vector.shape_cast %add3A_823 : vector<256xf32> to vector<1x1x256xf32>
    tpu.vector_store %arg19[%swap3A_824, %swap3A_825, %swap3A_826], %swap3A_829 {strides = array<i32>} : memref<4x1x2048xf32, #tpu.memory_space<vmem>>, vector<1x1x256xf32>,
    %get3A_830 = arith.constant 2 : index
    %get3A_831 = arith.constant 512 : index
    %get3A_832 = arith.constant 0 : index
    %get3A_833 = vector.load %arg2[%get3A_830, %get3A_831, %get3A_832] : memref<4x2048x256xf32, #tpu.memory_space<vmem>>, vector<1x256x256xf32>
    %get3A_834 = vector.shape_cast %get3A_833 : vector<1x256x256xf32> to vector<256x256xf32>
    %get3A_835 = arith.constant 512 : index
    %get3A_836 = arith.constant 0 : index
    %get3A_837 = vector.load %arg12[%get3A_835, %get3A_836] : memref<2048x256xf32, #tpu.memory_space<vmem>>, vector<256x256xf32>
    %dot_general3A_838 = arith.constant dense<0.000000e+00> : vector<256x512xf32>
    %dot_general3A_839 = tpu.matmul %get3A_834, %get3A_10, %dot_general3A_838 {dimension_numbers = #tpu.dot_dimension_numbers<[1], [0], [0], [1], [0, 0, 1, 1], [], []>, transpose_lhs_hint = false} : vector<256x256xf32>, vector<256x512xf32>, vector<256x512xf32> -> vector<256x512xf32>
    %slice3A_840 = vector.extract_strided_slice %dot_general3A_839 {offsets = [0, 0], sizes = [256, 256], strides = [1, 1]} : vector<256x512xf32> to vector<256x256xf32>
    %add3A_841 = vector.broadcast %get3A_738 : vector<1x256xf32> to vector<256x256xf32>
    %add3A_842 = arith.addf %slice3A_840, %add3A_841 : vector<256x256xf32>
    %mul3A_843 = arith.mulf %add3A_842, %get3A_837 : vector<256x256xf32>
    %dot_general3A_844 = arith.constant dense<0.000000e+00> : vector<256x256xf32>
    %dot_general3A_845 = tpu.matmul %mul3A_843, %get3A_13, %dot_general3A_844 {dimension_numbers = #tpu.dot_dimension_numbers<[1], [0], [0], [1], [0, 0, 1, 1], [], []>, transpose_lhs_hint = false} : vector<256x256xf32>, vector<256x256xf32>, vector<256x256xf32> -> vector<256x256xf32>
    %slice3A_846 = vector.extract_strided_slice %dot_general3A_839 {offsets = [0, 256], sizes = [256, 256], strides = [1, 1]} : vector<256x512xf32> to vector<256x256xf32>
    %add3A_847 = arith.addf %dot_general3A_845, %slice3A_846 : vector<256x256xf32>
    %add3A_848 = vector.broadcast %get3A_741 : vector<1x256xf32> to vector<256x256xf32>
    %add3A_849 = arith.addf %add3A_847, %add3A_848 : vector<256x256xf32>
    %get3A_850 = arith.constant 512 : index
    %get3A_851 = arith.constant 0 : index
    %get3A_852 = vector.load %arg21[%get3A_850, %get3A_851] : memref<2048x256xf32, #tpu.memory_space<vmem>>, vector<256x256xf32>
    %add3A_853 = arith.addf %add3A_849, %get3A_852 : vector<256x256xf32>
    %max3A_854 = arith.constant 0.000000e+00 : f32
    %max3A_855 = vector.broadcast %max3A_854 : f32 to vector<256x256xf32>
    %max3A_856 = arith.maximumf %add3A_853, %max3A_855 : vector<256x256xf32>
    %broadcast_in_dim3A_857 = vector.shape_cast %get3A_15 : vector<256xf32> to vector<1x256xf32>
    %mul3A_858 = vector.broadcast %broadcast_in_dim3A_857 : vector<1x256xf32> to vector<256x256xf32>
    %mul3A_859 = arith.mulf %max3A_856, %mul3A_858 : vector<256x256xf32>
    %reduce_sum3A_860 = arith.constant dense<0.000000e+00> : vector<256xf32>
    %reduce_sum3A_861 = vector.multi_reduction <add>, %mul3A_859, %reduce_sum3A_860 [1] : vector<256x256xf32> to vector<256xf32>
    %get3A_862 = arith.constant 2 : index
    %get3A_863 = arith.constant 0 : index
    %get3A_864 = arith.constant 512 : index
    %get3A_865 = vector.load %arg18[%get3A_862, %get3A_863, %get3A_864] : memref<4x1x2048xf32, #tpu.memory_space<vmem>>, vector<1x1x256xf32>
    %get3A_866 = vector.shape_cast %get3A_865 : vector<1x1x256xf32> to vector<256xf32>
    %add3A_867 = arith.addf %reduce_sum3A_861, %get3A_866 : vector<256xf32>
    %swap3A_868 = arith.constant 2 : index
    %swap3A_869 = arith.constant 0 : index
    %swap3A_870 = arith.constant 512 : index
    %swap3A_871 = vector.load %arg19[%swap3A_868, %swap3A_869, %swap3A_870] : memref<4x1x2048xf32, #tpu.memory_space<vmem>>, vector<1x1x256xf32>
    %swap3A_872 = vector.shape_cast %swap3A_871 : vector<1x1x256xf32> to vector<256xf32>
    %swap3A_873 = vector.shape_cast %add3A_867 : vector<256xf32> to vector<1x1x256xf32>
    tpu.vector_store %arg19[%swap3A_868, %swap3A_869, %swap3A_870], %swap3A_873 {strides = array<i32>} : memref<4x1x2048xf32, #tpu.memory_space<vmem>>, vector<1x1x256xf32>,
    %get3A_874 = arith.constant 2 : index
    %get3A_875 = arith.constant 768 : index
    %get3A_876 = arith.constant 0 : index
    %get3A_877 = vector.load %arg2[%get3A_874, %get3A_875, %get3A_876] : memref<4x2048x256xf32, #tpu.memory_space<vmem>>, vector<1x256x256xf32>
    %get3A_878 = vector.shape_cast %get3A_877 : vector<1x256x256xf32> to vector<256x256xf32>
    %get3A_879 = arith.constant 768 : index
    %get3A_880 = arith.constant 0 : index
    %get3A_881 = vector.load %arg12[%get3A_879, %get3A_880] : memref<2048x256xf32, #tpu.memory_space<vmem>>, vector<256x256xf32>
    %dot_general3A_882 = arith.constant dense<0.000000e+00> : vector<256x512xf32>
    %dot_general3A_883 = tpu.matmul %get3A_878, %get3A_10, %dot_general3A_882 {dimension_numbers = #tpu.dot_dimension_numbers<[1], [0], [0], [1], [0, 0, 1, 1], [], []>, transpose_lhs_hint = false} : vector<256x256xf32>, vector<256x512xf32>, vector<256x512xf32> -> vector<256x512xf32>
    %slice3A_884 = vector.extract_strided_slice %dot_general3A_883 {offsets = [0, 0], sizes = [256, 256], strides = [1, 1]} : vector<256x512xf32> to vector<256x256xf32>
    %add3A_885 = vector.broadcast %get3A_738 : vector<1x256xf32> to vector<256x256xf32>
    %add3A_886 = arith.addf %slice3A_884, %add3A_885 : vector<256x256xf32>
    %mul3A_887 = arith.mulf %add3A_886, %get3A_881 : vector<256x256xf32>
    %dot_general3A_888 = arith.constant dense<0.000000e+00> : vector<256x256xf32>
    %dot_general3A_889 = tpu.matmul %mul3A_887, %get3A_13, %dot_general3A_888 {dimension_numbers = #tpu.dot_dimension_numbers<[1], [0], [0], [1], [0, 0, 1, 1], [], []>, transpose_lhs_hint = false} : vector<256x256xf32>, vector<256x256xf32>, vector<256x256xf32> -> vector<256x256xf32>
    %slice3A_890 = vector.extract_strided_slice %dot_general3A_883 {offsets = [0, 256], sizes = [256, 256], strides = [1, 1]} : vector<256x512xf32> to vector<256x256xf32>
    %add3A_891 = arith.addf %dot_general3A_889, %slice3A_890 : vector<256x256xf32>
    %add3A_892 = vector.broadcast %get3A_741 : vector<1x256xf32> to vector<256x256xf32>
    %add3A_893 = arith.addf %add3A_891, %add3A_892 : vector<256x256xf32>
    %get3A_894 = arith.constant 768 : index
    %get3A_895 = arith.constant 0 : index
    %get3A_896 = vector.load %arg21[%get3A_894, %get3A_895] : memref<2048x256xf32, #tpu.memory_space<vmem>>, vector<256x256xf32>
    %add3A_897 = arith.addf %add3A_893, %get3A_896 : vector<256x256xf32>
    %max3A_898 = arith.constant 0.000000e+00 : f32
    %max3A_899 = vector.broadcast %max3A_898 : f32 to vector<256x256xf32>
    %max3A_900 = arith.maximumf %add3A_897, %max3A_899 : vector<256x256xf32>
    %broadcast_in_dim3A_901 = vector.shape_cast %get3A_15 : vector<256xf32> to vector<1x256xf32>
    %mul3A_902 = vector.broadcast %broadcast_in_dim3A_901 : vector<1x256xf32> to vector<256x256xf32>
    %mul3A_903 = arith.mulf %max3A_900, %mul3A_902 : vector<256x256xf32>
    %reduce_sum3A_904 = arith.constant dense<0.000000e+00> : vector<256xf32>
    %reduce_sum3A_905 = vector.multi_reduction <add>, %mul3A_903, %reduce_sum3A_904 [1] : vector<256x256xf32> to vector<256xf32>
    %get3A_906 = arith.constant 2 : index
    %get3A_907 = arith.constant 0 : index
    %get3A_908 = arith.constant 768 : index
    %get3A_909 = vector.load %arg18[%get3A_906, %get3A_907, %get3A_908] : memref<4x1x2048xf32, #tpu.memory_space<vmem>>, vector<1x1x256xf32>
    %get3A_910 = vector.shape_cast %get3A_909 : vector<1x1x256xf32> to vector<256xf32>
    %add3A_911 = arith.addf %reduce_sum3A_905, %get3A_910 : vector<256xf32>
    %swap3A_912 = arith.constant 2 : index
    %swap3A_913 = arith.constant 0 : index
    %swap3A_914 = arith.constant 768 : index
    %swap3A_915 = vector.load %arg19[%swap3A_912, %swap3A_913, %swap3A_914] : memref<4x1x2048xf32, #tpu.memory_space<vmem>>, vector<1x1x256xf32>
    %swap3A_916 = vector.shape_cast %swap3A_915 : vector<1x1x256xf32> to vector<256xf32>
    %swap3A_917 = vector.shape_cast %add3A_911 : vector<256xf32> to vector<1x1x256xf32>
    tpu.vector_store %arg19[%swap3A_912, %swap3A_913, %swap3A_914], %swap3A_917 {strides = array<i32>} : memref<4x1x2048xf32, #tpu.memory_space<vmem>>, vector<1x1x256xf32>,
    %get3A_918 = arith.constant 2 : index
    %get3A_919 = arith.constant 1024 : index
    %get3A_920 = arith.constant 0 : index
    %get3A_921 = vector.load %arg2[%get3A_918, %get3A_919, %get3A_920] : memref<4x2048x256xf32, #tpu.memory_space<vmem>>, vector<1x256x256xf32>
    %get3A_922 = vector.shape_cast %get3A_921 : vector<1x256x256xf32> to vector<256x256xf32>
    %get3A_923 = arith.constant 1024 : index
    %get3A_924 = arith.constant 0 : index
    %get3A_925 = vector.load %arg12[%get3A_923, %get3A_924] : memref<2048x256xf32, #tpu.memory_space<vmem>>, vector<256x256xf32>
    %dot_general3A_926 = arith.constant dense<0.000000e+00> : vector<256x512xf32>
    %dot_general3A_927 = tpu.matmul %get3A_922, %get3A_10, %dot_general3A_926 {dimension_numbers = #tpu.dot_dimension_numbers<[1], [0], [0], [1], [0, 0, 1, 1], [], []>, transpose_lhs_hint = false} : vector<256x256xf32>, vector<256x512xf32>, vector<256x512xf32> -> vector<256x512xf32>
    %slice3A_928 = vector.extract_strided_slice %dot_general3A_927 {offsets = [0, 0], sizes = [256, 256], strides = [1, 1]} : vector<256x512xf32> to vector<256x256xf32>
    %add3A_929 = vector.broadcast %get3A_738 : vector<1x256xf32> to vector<256x256xf32>
    %add3A_930 = arith.addf %slice3A_928, %add3A_929 : vector<256x256xf32>
    %mul3A_931 = arith.mulf %add3A_930, %get3A_925 : vector<256x256xf32>
    %dot_general3A_932 = arith.constant dense<0.000000e+00> : vector<256x256xf32>
    %dot_general3A_933 = tpu.matmul %mul3A_931, %get3A_13, %dot_general3A_932 {dimension_numbers = #tpu.dot_dimension_numbers<[1], [0], [0], [1], [0, 0, 1, 1], [], []>, transpose_lhs_hint = false} : vector<256x256xf32>, vector<256x256xf32>, vector<256x256xf32> -> vector<256x256xf32>
    %slice3A_934 = vector.extract_strided_slice %dot_general3A_927 {offsets = [0, 256], sizes = [256, 256], strides = [1, 1]} : vector<256x512xf32> to vector<256x256xf32>
    %add3A_935 = arith.addf %dot_general3A_933, %slice3A_934 : vector<256x256xf32>
    %add3A_936 = vector.broadcast %get3A_741 : vector<1x256xf32> to vector<256x256xf32>
    %add3A_937 = arith.addf %add3A_935, %add3A_936 : vector<256x256xf32>
    %get3A_938 = arith.constant 1024 : index
    %get3A_939 = arith.constant 0 : index
    %get3A_940 = vector.load %arg21[%get3A_938, %get3A_939] : memref<2048x256xf32, #tpu.memory_space<vmem>>, vector<256x256xf32>
    %add3A_941 = arith.addf %add3A_937, %get3A_940 : vector<256x256xf32>
    %max3A_942 = arith.constant 0.000000e+00 : f32
    %max3A_943 = vector.broadcast %max3A_942 : f32 to vector<256x256xf32>
    %max3A_944 = arith.maximumf %add3A_941, %max3A_943 : vector<256x256xf32>
    %broadcast_in_dim3A_945 = vector.shape_cast %get3A_15 : vector<256xf32> to vector<1x256xf32>
    %mul3A_946 = vector.broadcast %broadcast_in_dim3A_945 : vector<1x256xf32> to vector<256x256xf32>
    %mul3A_947 = arith.mulf %max3A_944, %mul3A_946 : vector<256x256xf32>
    %reduce_sum3A_948 = arith.constant dense<0.000000e+00> : vector<256xf32>
    %reduce_sum3A_949 = vector.multi_reduction <add>, %mul3A_947, %reduce_sum3A_948 [1] : vector<256x256xf32> to vector<256xf32>
    %get3A_950 = arith.constant 2 : index
    %get3A_951 = arith.constant 0 : index
    %get3A_952 = arith.constant 1024 : index
    %get3A_953 = vector.load %arg18[%get3A_950, %get3A_951, %get3A_952] : memref<4x1x2048xf32, #tpu.memory_space<vmem>>, vector<1x1x256xf32>
    %get3A_954 = vector.shape_cast %get3A_953 : vector<1x1x256xf32> to vector<256xf32>
    %add3A_955 = arith.addf %reduce_sum3A_949, %get3A_954 : vector<256xf32>
    %swap3A_956 = arith.constant 2 : index
    %swap3A_957 = arith.constant 0 : index
    %swap3A_958 = arith.constant 1024 : index
    %swap3A_959 = vector.load %arg19[%swap3A_956, %swap3A_957, %swap3A_958] : memref<4x1x2048xf32, #tpu.memory_space<vmem>>, vector<1x1x256xf32>
    %swap3A_960 = vector.shape_cast %swap3A_959 : vector<1x1x256xf32> to vector<256xf32>
    %swap3A_961 = vector.shape_cast %add3A_955 : vector<256xf32> to vector<1x1x256xf32>
    tpu.vector_store %arg19[%swap3A_956, %swap3A_957, %swap3A_958], %swap3A_961 {strides = array<i32>} : memref<4x1x2048xf32, #tpu.memory_space<vmem>>, vector<1x1x256xf32>,
    %get3A_962 = arith.constant 2 : index
    %get3A_963 = arith.constant 1280 : index
    %get3A_964 = arith.constant 0 : index
    %get3A_965 = vector.load %arg2[%get3A_962, %get3A_963, %get3A_964] : memref<4x2048x256xf32, #tpu.memory_space<vmem>>, vector<1x256x256xf32>
    %get3A_966 = vector.shape_cast %get3A_965 : vector<1x256x256xf32> to vector<256x256xf32>
    %get3A_967 = arith.constant 1280 : index
    %get3A_968 = arith.constant 0 : index
    %get3A_969 = vector.load %arg12[%get3A_967, %get3A_968] : memref<2048x256xf32, #tpu.memory_space<vmem>>, vector<256x256xf32>
    %dot_general3A_970 = arith.constant dense<0.000000e+00> : vector<256x512xf32>
    %dot_general3A_971 = tpu.matmul %get3A_966, %get3A_10, %dot_general3A_970 {dimension_numbers = #tpu.dot_dimension_numbers<[1], [0], [0], [1], [0, 0, 1, 1], [], []>, transpose_lhs_hint = false} : vector<256x256xf32>, vector<256x512xf32>, vector<256x512xf32> -> vector<256x512xf32>
    %slice3A_972 = vector.extract_strided_slice %dot_general3A_971 {offsets = [0, 0], sizes = [256, 256], strides = [1, 1]} : vector<256x512xf32> to vector<256x256xf32>
    %add3A_973 = vector.broadcast %get3A_738 : vector<1x256xf32> to vector<256x256xf32>
    %add3A_974 = arith.addf %slice3A_972, %add3A_973 : vector<256x256xf32>
    %mul3A_975 = arith.mulf %add3A_974, %get3A_969 : vector<256x256xf32>
    %dot_general3A_976 = arith.constant dense<0.000000e+00> : vector<256x256xf32>
    %dot_general3A_977 = tpu.matmul %mul3A_975, %get3A_13, %dot_general3A_976 {dimension_numbers = #tpu.dot_dimension_numbers<[1], [0], [0], [1], [0, 0, 1, 1], [], []>, transpose_lhs_hint = false} : vector<256x256xf32>, vector<256x256xf32>, vector<256x256xf32> -> vector<256x256xf32>
    %slice3A_978 = vector.extract_strided_slice %dot_general3A_971 {offsets = [0, 256], sizes = [256, 256], strides = [1, 1]} : vector<256x512xf32> to vector<256x256xf32>
    %add3A_979 = arith.addf %dot_general3A_977, %slice3A_978 : vector<256x256xf32>
    %add3A_980 = vector.broadcast %get3A_741 : vector<1x256xf32> to vector<256x256xf32>
    %add3A_981 = arith.addf %add3A_979, %add3A_980 : vector<256x256xf32>
    %get3A_982 = arith.constant 1280 : index
    %get3A_983 = arith.constant 0 : index
    %get3A_984 = vector.load %arg21[%get3A_982, %get3A_983] : memref<2048x256xf32, #tpu.memory_space<vmem>>, vector<256x256xf32>
    %add3A_985 = arith.addf %add3A_981, %get3A_984 : vector<256x256xf32>
    %max3A_986 = arith.constant 0.000000e+00 : f32
    %max3A_987 = vector.broadcast %max3A_986 : f32 to vector<256x256xf32>
    %max3A_988 = arith.maximumf %add3A_985, %max3A_987 : vector<256x256xf32>
    %broadcast_in_dim3A_989 = vector.shape_cast %get3A_15 : vector<256xf32> to vector<1x256xf32>
    %mul3A_990 = vector.broadcast %broadcast_in_dim3A_989 : vector<1x256xf32> to vector<256x256xf32>
    %mul3A_991 = arith.mulf %max3A_988, %mul3A_990 : vector<256x256xf32>
    %reduce_sum3A_992 = arith.constant dense<0.000000e+00> : vector<256xf32>
    %reduce_sum3A_993 = vector.multi_reduction <add>, %mul3A_991, %reduce_sum3A_992 [1] : vector<256x256xf32> to vector<256xf32>
    %get3A_994 = arith.constant 2 : index
    %get3A_995 = arith.constant 0 : index
    %get3A_996 = arith.constant 1280 : index
    %get3A_997 = vector.load %arg18[%get3A_994, %get3A_995, %get3A_996] : memref<4x1x2048xf32, #tpu.memory_space<vmem>>, vector<1x1x256xf32>
    %get3A_998 = vector.shape_cast %get3A_997 : vector<1x1x256xf32> to vector<256xf32>
    %add3A_999 = arith.addf %reduce_sum3A_993, %get3A_998 : vector<256xf32>
    %swap3A_1000 = arith.constant 2 : index
    %swap3A_1001 = arith.constant 0 : index
    %swap3A_1002 = arith.constant 1280 : index
    %swap3A_1003 = vector.load %arg19[%swap3A_1000, %swap3A_1001, %swap3A_1002] : memref<4x1x2048xf32, #tpu.memory_space<vmem>>, vector<1x1x256xf32>
    %swap3A_1004 = vector.shape_cast %swap3A_1003 : vector<1x1x256xf32> to vector<256xf32>
    %swap3A_1005 = vector.shape_cast %add3A_999 : vector<256xf32> to vector<1x1x256xf32>
    tpu.vector_store %arg19[%swap3A_1000, %swap3A_1001, %swap3A_1002], %swap3A_1005 {strides = array<i32>} : memref<4x1x2048xf32, #tpu.memory_space<vmem>>, vector<1x1x256xf32>,
    %get3A_1006 = arith.constant 2 : index
    %get3A_1007 = arith.constant 1536 : index
    %get3A_1008 = arith.constant 0 : index
    %get3A_1009 = vector.load %arg2[%get3A_1006, %get3A_1007, %get3A_1008] : memref<4x2048x256xf32, #tpu.memory_space<vmem>>, vector<1x256x256xf32>
    %get3A_1010 = vector.shape_cast %get3A_1009 : vector<1x256x256xf32> to vector<256x256xf32>
    %get3A_1011 = arith.constant 1536 : index
    %get3A_1012 = arith.constant 0 : index
    %get3A_1013 = vector.load %arg12[%get3A_1011, %get3A_1012] : memref<2048x256xf32, #tpu.memory_space<vmem>>, vector<256x256xf32>
    %dot_general3A_1014 = arith.constant dense<0.000000e+00> : vector<256x512xf32>
    %dot_general3A_1015 = tpu.matmul %get3A_1010, %get3A_10, %dot_general3A_1014 {dimension_numbers = #tpu.dot_dimension_numbers<[1], [0], [0], [1], [0, 0, 1, 1], [], []>, transpose_lhs_hint = false} : vector<256x256xf32>, vector<256x512xf32>, vector<256x512xf32> -> vector<256x512xf32>
    %slice3A_1016 = vector.extract_strided_slice %dot_general3A_1015 {offsets = [0, 0], sizes = [256, 256], strides = [1, 1]} : vector<256x512xf32> to vector<256x256xf32>
    %add3A_1017 = vector.broadcast %get3A_738 : vector<1x256xf32> to vector<256x256xf32>
    %add3A_1018 = arith.addf %slice3A_1016, %add3A_1017 : vector<256x256xf32>
    %mul3A_1019 = arith.mulf %add3A_1018, %get3A_1013 : vector<256x256xf32>
    %dot_general3A_1020 = arith.constant dense<0.000000e+00> : vector<256x256xf32>
    %dot_general3A_1021 = tpu.matmul %mul3A_1019, %get3A_13, %dot_general3A_1020 {dimension_numbers = #tpu.dot_dimension_numbers<[1], [0], [0], [1], [0, 0, 1, 1], [], []>, transpose_lhs_hint = false} : vector<256x256xf32>, vector<256x256xf32>, vector<256x256xf32> -> vector<256x256xf32>
    %slice3A_1022 = vector.extract_strided_slice %dot_general3A_1015 {offsets = [0, 256], sizes = [256, 256], strides = [1, 1]} : vector<256x512xf32> to vector<256x256xf32>
    %add3A_1023 = arith.addf %dot_general3A_1021, %slice3A_1022 : vector<256x256xf32>
    %add3A_1024 = vector.broadcast %get3A_741 : vector<1x256xf32> to vector<256x256xf32>
    %add3A_1025 = arith.addf %add3A_1023, %add3A_1024 : vector<256x256xf32>
    %get3A_1026 = arith.constant 1536 : index
    %get3A_1027 = arith.constant 0 : index
    %get3A_1028 = vector.load %arg21[%get3A_1026, %get3A_1027] : memref<2048x256xf32, #tpu.memory_space<vmem>>, vector<256x256xf32>
    %add3A_1029 = arith.addf %add3A_1025, %get3A_1028 : vector<256x256xf32>
    %max3A_1030 = arith.constant 0.000000e+00 : f32
    %max3A_1031 = vector.broadcast %max3A_1030 : f32 to vector<256x256xf32>
    %max3A_1032 = arith.maximumf %add3A_1029, %max3A_1031 : vector<256x256xf32>
    %broadcast_in_dim3A_1033 = vector.shape_cast %get3A_15 : vector<256xf32> to vector<1x256xf32>
    %mul3A_1034 = vector.broadcast %broadcast_in_dim3A_1033 : vector<1x256xf32> to vector<256x256xf32>
    %mul3A_1035 = arith.mulf %max3A_1032, %mul3A_1034 : vector<256x256xf32>
    %reduce_sum3A_1036 = arith.constant dense<0.000000e+00> : vector<256xf32>
    %reduce_sum3A_1037 = vector.multi_reduction <add>, %mul3A_1035, %reduce_sum3A_1036 [1] : vector<256x256xf32> to vector<256xf32>
    %get3A_1038 = arith.constant 2 : index
    %get3A_1039 = arith.constant 0 : index
    %get3A_1040 = arith.constant 1536 : index
    %get3A_1041 = vector.load %arg18[%get3A_1038, %get3A_1039, %get3A_1040] : memref<4x1x2048xf32, #tpu.memory_space<vmem>>, vector<1x1x256xf32>
    %get3A_1042 = vector.shape_cast %get3A_1041 : vector<1x1x256xf32> to vector<256xf32>
    %add3A_1043 = arith.addf %reduce_sum3A_1037, %get3A_1042 : vector<256xf32>
    %swap3A_1044 = arith.constant 2 : index
    %swap3A_1045 = arith.constant 0 : index
    %swap3A_1046 = arith.constant 1536 : index
    %swap3A_1047 = vector.load %arg19[%swap3A_1044, %swap3A_1045, %swap3A_1046] : memref<4x1x2048xf32, #tpu.memory_space<vmem>>, vector<1x1x256xf32>
    %swap3A_1048 = vector.shape_cast %swap3A_1047 : vector<1x1x256xf32> to vector<256xf32>
    %swap3A_1049 = vector.shape_cast %add3A_1043 : vector<256xf32> to vector<1x1x256xf32>
    tpu.vector_store %arg19[%swap3A_1044, %swap3A_1045, %swap3A_1046], %swap3A_1049 {strides = array<i32>} : memref<4x1x2048xf32, #tpu.memory_space<vmem>>, vector<1x1x256xf32>,
    %get3A_1050 = arith.constant 2 : index
    %get3A_1051 = arith.constant 1792 : index
    %get3A_1052 = arith.constant 0 : index
    %get3A_1053 = vector.load %arg2[%get3A_1050, %get3A_1051, %get3A_1052] : memref<4x2048x256xf32, #tpu.memory_space<vmem>>, vector<1x256x256xf32>
    %get3A_1054 = vector.shape_cast %get3A_1053 : vector<1x256x256xf32> to vector<256x256xf32>
    %get3A_1055 = arith.constant 1792 : index
    %get3A_1056 = arith.constant 0 : index
    %get3A_1057 = vector.load %arg12[%get3A_1055, %get3A_1056] : memref<2048x256xf32, #tpu.memory_space<vmem>>, vector<256x256xf32>
    %dot_general3A_1058 = arith.constant dense<0.000000e+00> : vector<256x512xf32>
    %dot_general3A_1059 = tpu.matmul %get3A_1054, %get3A_10, %dot_general3A_1058 {dimension_numbers = #tpu.dot_dimension_numbers<[1], [0], [0], [1], [0, 0, 1, 1], [], []>, transpose_lhs_hint = false} : vector<256x256xf32>, vector<256x512xf32>, vector<256x512xf32> -> vector<256x512xf32>
    %slice3A_1060 = vector.extract_strided_slice %dot_general3A_1059 {offsets = [0, 0], sizes = [256, 256], strides = [1, 1]} : vector<256x512xf32> to vector<256x256xf32>
    %add3A_1061 = vector.broadcast %get3A_738 : vector<1x256xf32> to vector<256x256xf32>
    %add3A_1062 = arith.addf %slice3A_1060, %add3A_1061 : vector<256x256xf32>
    %mul3A_1063 = arith.mulf %add3A_1062, %get3A_1057 : vector<256x256xf32>
    %dot_general3A_1064 = arith.constant dense<0.000000e+00> : vector<256x256xf32>
    %dot_general3A_1065 = tpu.matmul %mul3A_1063, %get3A_13, %dot_general3A_1064 {dimension_numbers = #tpu.dot_dimension_numbers<[1], [0], [0], [1], [0, 0, 1, 1], [], []>, transpose_lhs_hint = false} : vector<256x256xf32>, vector<256x256xf32>, vector<256x256xf32> -> vector<256x256xf32>
    %slice3A_1066 = vector.extract_strided_slice %dot_general3A_1059 {offsets = [0, 256], sizes = [256, 256], strides = [1, 1]} : vector<256x512xf32> to vector<256x256xf32>
    %add3A_1067 = arith.addf %dot_general3A_1065, %slice3A_1066 : vector<256x256xf32>
    %add3A_1068 = vector.broadcast %get3A_741 : vector<1x256xf32> to vector<256x256xf32>
    %add3A_1069 = arith.addf %add3A_1067, %add3A_1068 : vector<256x256xf32>
    %get3A_1070 = arith.constant 1792 : index
    %get3A_1071 = arith.constant 0 : index
    %get3A_1072 = vector.load %arg21[%get3A_1070, %get3A_1071] : memref<2048x256xf32, #tpu.memory_space<vmem>>, vector<256x256xf32>
    %add3A_1073 = arith.addf %add3A_1069, %get3A_1072 : vector<256x256xf32>
    %max3A_1074 = arith.constant 0.000000e+00 : f32
    %max3A_1075 = vector.broadcast %max3A_1074 : f32 to vector<256x256xf32>
    %max3A_1076 = arith.maximumf %add3A_1073, %max3A_1075 : vector<256x256xf32>
    %broadcast_in_dim3A_1077 = vector.shape_cast %get3A_15 : vector<256xf32> to vector<1x256xf32>
    %mul3A_1078 = vector.broadcast %broadcast_in_dim3A_1077 : vector<1x256xf32> to vector<256x256xf32>
    %mul3A_1079 = arith.mulf %max3A_1076, %mul3A_1078 : vector<256x256xf32>
    %reduce_sum3A_1080 = arith.constant dense<0.000000e+00> : vector<256xf32>
    %reduce_sum3A_1081 = vector.multi_reduction <add>, %mul3A_1079, %reduce_sum3A_1080 [1] : vector<256x256xf32> to vector<256xf32>
    %get3A_1082 = arith.constant 2 : index
    %get3A_1083 = arith.constant 0 : index
    %get3A_1084 = arith.constant 1792 : index
    %get3A_1085 = vector.load %arg18[%get3A_1082, %get3A_1083, %get3A_1084] : memref<4x1x2048xf32, #tpu.memory_space<vmem>>, vector<1x1x256xf32>
    %get3A_1086 = vector.shape_cast %get3A_1085 : vector<1x1x256xf32> to vector<256xf32>
    %add3A_1087 = arith.addf %reduce_sum3A_1081, %get3A_1086 : vector<256xf32>
    %swap3A_1088 = arith.constant 2 : index
    %swap3A_1089 = arith.constant 0 : index
    %swap3A_1090 = arith.constant 1792 : index
    %swap3A_1091 = vector.load %arg19[%swap3A_1088, %swap3A_1089, %swap3A_1090] : memref<4x1x2048xf32, #tpu.memory_space<vmem>>, vector<1x1x256xf32>
    %swap3A_1092 = vector.shape_cast %swap3A_1091 : vector<1x1x256xf32> to vector<256xf32>
    %swap3A_1093 = vector.shape_cast %add3A_1087 : vector<256xf32> to vector<1x1x256xf32>
    tpu.vector_store %arg19[%swap3A_1088, %swap3A_1089, %swap3A_1090], %swap3A_1093 {strides = array<i32>} : memref<4x1x2048xf32, #tpu.memory_space<vmem>>, vector<1x1x256xf32>,
    %mul3A_1094 = arith.constant 4 : i32
    %mul3A_1095 = arith.muli %arg1, %mul3A_1094 : i32
    %add3A_1096 = arith.constant 3 : i32
    %add3A_1097 = arith.addi %mul3A_1095, %add3A_1096 : i32
    %get3A_1098 = arith.index_cast %add3A_1097 : i32 to index
    %get3A_1099 = arith.constant 0 : index
    %get3A_1100 = vector.load %arg20[%get3A_1098, %get3A_1099] : memref<16x256xf32, #tpu.memory_space<vmem>>, vector<1x256xf32>
    %get3A_1101 = arith.index_cast %add3A_1097 : i32 to index
    %get3A_1102 = arith.constant 0 : index
    %get3A_1103 = vector.load %arg23[%get3A_1101, %get3A_1102] : memref<16x256xf32, #tpu.memory_space<vmem>>, vector<1x256xf32>
    %get3A_1104 = arith.constant 3 : index
    %get3A_1105 = arith.constant 0 : index
    %get3A_1106 = arith.constant 0 : index
    %get3A_1107 = vector.load %arg2[%get3A_1104, %get3A_1105, %get3A_1106] : memref<4x2048x256xf32, #tpu.memory_space<vmem>>, vector<1x256x256xf32>
    %get3A_1108 = vector.shape_cast %get3A_1107 : vector<1x256x256xf32> to vector<256x256xf32>
    %get3A_1109 = arith.constant 0 : index
    %get3A_1110 = arith.constant 0 : index
    %get3A_1111 = vector.load %arg12[%get3A_1109, %get3A_1110] : memref<2048x256xf32, #tpu.memory_space<vmem>>, vector<256x256xf32>
    %dot_general3A_1112 = arith.constant dense<0.000000e+00> : vector<256x512xf32>
    %dot_general3A_1113 = tpu.matmul %get3A_1108, %get3A_10, %dot_general3A_1112 {dimension_numbers = #tpu.dot_dimension_numbers<[1], [0], [0], [1], [0, 0, 1, 1], [], []>, transpose_lhs_hint = false} : vector<256x256xf32>, vector<256x512xf32>, vector<256x512xf32> -> vector<256x512xf32>
    %slice3A_1114 = vector.extract_strided_slice %dot_general3A_1113 {offsets = [0, 0], sizes = [256, 256], strides = [1, 1]} : vector<256x512xf32> to vector<256x256xf32>
    %add3A_1115 = vector.broadcast %get3A_1100 : vector<1x256xf32> to vector<256x256xf32>
    %add3A_1116 = arith.addf %slice3A_1114, %add3A_1115 : vector<256x256xf32>
    %mul3A_1117 = arith.mulf %add3A_1116, %get3A_1111 : vector<256x256xf32>
    %dot_general3A_1118 = arith.constant dense<0.000000e+00> : vector<256x256xf32>
    %dot_general3A_1119 = tpu.matmul %mul3A_1117, %get3A_13, %dot_general3A_1118 {dimension_numbers = #tpu.dot_dimension_numbers<[1], [0], [0], [1], [0, 0, 1, 1], [], []>, transpose_lhs_hint = false} : vector<256x256xf32>, vector<256x256xf32>, vector<256x256xf32> -> vector<256x256xf32>
    %slice3A_1120 = vector.extract_strided_slice %dot_general3A_1113 {offsets = [0, 256], sizes = [256, 256], strides = [1, 1]} : vector<256x512xf32> to vector<256x256xf32>
    %add3A_1121 = arith.addf %dot_general3A_1119, %slice3A_1120 : vector<256x256xf32>
    %add3A_1122 = vector.broadcast %get3A_1103 : vector<1x256xf32> to vector<256x256xf32>
    %add3A_1123 = arith.addf %add3A_1121, %add3A_1122 : vector<256x256xf32>
    %get3A_1124 = arith.constant 0 : index
    %get3A_1125 = arith.constant 0 : index
    %get3A_1126 = vector.load %arg21[%get3A_1124, %get3A_1125] : memref<2048x256xf32, #tpu.memory_space<vmem>>, vector<256x256xf32>
    %add3A_1127 = arith.addf %add3A_1123, %get3A_1126 : vector<256x256xf32>
    %max3A_1128 = arith.constant 0.000000e+00 : f32
    %max3A_1129 = vector.broadcast %max3A_1128 : f32 to vector<256x256xf32>
    %max3A_1130 = arith.maximumf %add3A_1127, %max3A_1129 : vector<256x256xf32>
    %broadcast_in_dim3A_1131 = vector.shape_cast %get3A_15 : vector<256xf32> to vector<1x256xf32>
    %mul3A_1132 = vector.broadcast %broadcast_in_dim3A_1131 : vector<1x256xf32> to vector<256x256xf32>
    %mul3A_1133 = arith.mulf %max3A_1130, %mul3A_1132 : vector<256x256xf32>
    %reduce_sum3A_1134 = arith.constant dense<0.000000e+00> : vector<256xf32>
    %reduce_sum3A_1135 = vector.multi_reduction <add>, %mul3A_1133, %reduce_sum3A_1134 [1] : vector<256x256xf32> to vector<256xf32>
    %get3A_1136 = arith.constant 3 : index
    %get3A_1137 = arith.constant 0 : index
    %get3A_1138 = arith.constant 0 : index
    %get3A_1139 = vector.load %arg18[%get3A_1136, %get3A_1137, %get3A_1138] : memref<4x1x2048xf32, #tpu.memory_space<vmem>>, vector<1x1x256xf32>
    %get3A_1140 = vector.shape_cast %get3A_1139 : vector<1x1x256xf32> to vector<256xf32>
    %add3A_1141 = arith.addf %reduce_sum3A_1135, %get3A_1140 : vector<256xf32>
    %swap3A_1142 = arith.constant 3 : index
    %swap3A_1143 = arith.constant 0 : index
    %swap3A_1144 = arith.constant 0 : index
    %swap3A_1145 = vector.load %arg19[%swap3A_1142, %swap3A_1143, %swap3A_1144] : memref<4x1x2048xf32, #tpu.memory_space<vmem>>, vector<1x1x256xf32>
    %swap3A_1146 = vector.shape_cast %swap3A_1145 : vector<1x1x256xf32> to vector<256xf32>
    %swap3A_1147 = vector.shape_cast %add3A_1141 : vector<256xf32> to vector<1x1x256xf32>
    tpu.vector_store %arg19[%swap3A_1142, %swap3A_1143, %swap3A_1144], %swap3A_1147 {strides = array<i32>} : memref<4x1x2048xf32, #tpu.memory_space<vmem>>, vector<1x1x256xf32>,
    %get3A_1148 = arith.constant 3 : index
    %get3A_1149 = arith.constant 256 : index
    %get3A_1150 = arith.constant 0 : index
    %get3A_1151 = vector.load %arg2[%get3A_1148, %get3A_1149, %get3A_1150] : memref<4x2048x256xf32, #tpu.memory_space<vmem>>, vector<1x256x256xf32>
    %get3A_1152 = vector.shape_cast %get3A_1151 : vector<1x256x256xf32> to vector<256x256xf32>
    %get3A_1153 = arith.constant 256 : index
    %get3A_1154 = arith.constant 0 : index
    %get3A_1155 = vector.load %arg12[%get3A_1153, %get3A_1154] : memref<2048x256xf32, #tpu.memory_space<vmem>>, vector<256x256xf32>
    %dot_general3A_1156 = arith.constant dense<0.000000e+00> : vector<256x512xf32>
    %dot_general3A_1157 = tpu.matmul %get3A_1152, %get3A_10, %dot_general3A_1156 {dimension_numbers = #tpu.dot_dimension_numbers<[1], [0], [0], [1], [0, 0, 1, 1], [], []>, transpose_lhs_hint = false} : vector<256x256xf32>, vector<256x512xf32>, vector<256x512xf32> -> vector<256x512xf32>
    %slice3A_1158 = vector.extract_strided_slice %dot_general3A_1157 {offsets = [0, 0], sizes = [256, 256], strides = [1, 1]} : vector<256x512xf32> to vector<256x256xf32>
    %add3A_1159 = vector.broadcast %get3A_1100 : vector<1x256xf32> to vector<256x256xf32>
    %add3A_1160 = arith.addf %slice3A_1158, %add3A_1159 : vector<256x256xf32>
    %mul3A_1161 = arith.mulf %add3A_1160, %get3A_1155 : vector<256x256xf32>
    %dot_general3A_1162 = arith.constant dense<0.000000e+00> : vector<256x256xf32>
    %dot_general3A_1163 = tpu.matmul %mul3A_1161, %get3A_13, %dot_general3A_1162 {dimension_numbers = #tpu.dot_dimension_numbers<[1], [0], [0], [1], [0, 0, 1, 1], [], []>, transpose_lhs_hint = false} : vector<256x256xf32>, vector<256x256xf32>, vector<256x256xf32> -> vector<256x256xf32>
    %slice3A_1164 = vector.extract_strided_slice %dot_general3A_1157 {offsets = [0, 256], sizes = [256, 256], strides = [1, 1]} : vector<256x512xf32> to vector<256x256xf32>
    %add3A_1165 = arith.addf %dot_general3A_1163, %slice3A_1164 : vector<256x256xf32>
    %add3A_1166 = vector.broadcast %get3A_1103 : vector<1x256xf32> to vector<256x256xf32>
    %add3A_1167 = arith.addf %add3A_1165, %add3A_1166 : vector<256x256xf32>
    %get3A_1168 = arith.constant 256 : index
    %get3A_1169 = arith.constant 0 : index
    %get3A_1170 = vector.load %arg21[%get3A_1168, %get3A_1169] : memref<2048x256xf32, #tpu.memory_space<vmem>>, vector<256x256xf32>
    %add3A_1171 = arith.addf %add3A_1167, %get3A_1170 : vector<256x256xf32>
    %max3A_1172 = arith.constant 0.000000e+00 : f32
    %max3A_1173 = vector.broadcast %max3A_1172 : f32 to vector<256x256xf32>
    %max3A_1174 = arith.maximumf %add3A_1171, %max3A_1173 : vector<256x256xf32>
    %broadcast_in_dim3A_1175 = vector.shape_cast %get3A_15 : vector<256xf32> to vector<1x256xf32>
    %mul3A_1176 = vector.broadcast %broadcast_in_dim3A_1175 : vector<1x256xf32> to vector<256x256xf32>
    %mul3A_1177 = arith.mulf %max3A_1174, %mul3A_1176 : vector<256x256xf32>
    %reduce_sum3A_1178 = arith.constant dense<0.000000e+00> : vector<256xf32>
    %reduce_sum3A_1179 = vector.multi_reduction <add>, %mul3A_1177, %reduce_sum3A_1178 [1] : vector<256x256xf32> to vector<256xf32>
    %get3A_1180 = arith.constant 3 : index
    %get3A_1181 = arith.constant 0 : index
    %get3A_1182 = arith.constant 256 : index
    %get3A_1183 = vector.load %arg18[%get3A_1180, %get3A_1181, %get3A_1182] : memref<4x1x2048xf32, #tpu.memory_space<vmem>>, vector<1x1x256xf32>
    %get3A_1184 = vector.shape_cast %get3A_1183 : vector<1x1x256xf32> to vector<256xf32>
    %add3A_1185 = arith.addf %reduce_sum3A_1179, %get3A_1184 : vector<256xf32>
    %swap3A_1186 = arith.constant 3 : index
    %swap3A_1187 = arith.constant 0 : index
    %swap3A_1188 = arith.constant 256 : index
    %swap3A_1189 = vector.load %arg19[%swap3A_1186, %swap3A_1187, %swap3A_1188] : memref<4x1x2048xf32, #tpu.memory_space<vmem>>, vector<1x1x256xf32>
    %swap3A_1190 = vector.shape_cast %swap3A_1189 : vector<1x1x256xf32> to vector<256xf32>
    %swap3A_1191 = vector.shape_cast %add3A_1185 : vector<256xf32> to vector<1x1x256xf32>
    tpu.vector_store %arg19[%swap3A_1186, %swap3A_1187, %swap3A_1188], %swap3A_1191 {strides = array<i32>} : memref<4x1x2048xf32, #tpu.memory_space<vmem>>, vector<1x1x256xf32>,
    %get3A_1192 = arith.constant 3 : index
    %get3A_1193 = arith.constant 512 : index
    %get3A_1194 = arith.constant 0 : index
    %get3A_1195 = vector.load %arg2[%get3A_1192, %get3A_1193, %get3A_1194] : memref<4x2048x256xf32, #tpu.memory_space<vmem>>, vector<1x256x256xf32>
    %get3A_1196 = vector.shape_cast %get3A_1195 : vector<1x256x256xf32> to vector<256x256xf32>
    %get3A_1197 = arith.constant 512 : index
    %get3A_1198 = arith.constant 0 : index
    %get3A_1199 = vector.load %arg12[%get3A_1197, %get3A_1198] : memref<2048x256xf32, #tpu.memory_space<vmem>>, vector<256x256xf32>
    %dot_general3A_1200 = arith.constant dense<0.000000e+00> : vector<256x512xf32>
    %dot_general3A_1201 = tpu.matmul %get3A_1196, %get3A_10, %dot_general3A_1200 {dimension_numbers = #tpu.dot_dimension_numbers<[1], [0], [0], [1], [0, 0, 1, 1], [], []>, transpose_lhs_hint = false} : vector<256x256xf32>, vector<256x512xf32>, vector<256x512xf32> -> vector<256x512xf32>
    %slice3A_1202 = vector.extract_strided_slice %dot_general3A_1201 {offsets = [0, 0], sizes = [256, 256], strides = [1, 1]} : vector<256x512xf32> to vector<256x256xf32>
    %add3A_1203 = vector.broadcast %get3A_1100 : vector<1x256xf32> to vector<256x256xf32>
    %add3A_1204 = arith.addf %slice3A_1202, %add3A_1203 : vector<256x256xf32>
    %mul3A_1205 = arith.mulf %add3A_1204, %get3A_1199 : vector<256x256xf32>
    %dot_general3A_1206 = arith.constant dense<0.000000e+00> : vector<256x256xf32>
    %dot_general3A_1207 = tpu.matmul %mul3A_1205, %get3A_13, %dot_general3A_1206 {dimension_numbers = #tpu.dot_dimension_numbers<[1], [0], [0], [1], [0, 0, 1, 1], [], []>, transpose_lhs_hint = false} : vector<256x256xf32>, vector<256x256xf32>, vector<256x256xf32> -> vector<256x256xf32>
    %slice3A_1208 = vector.extract_strided_slice %dot_general3A_1201 {offsets = [0, 256], sizes = [256, 256], strides = [1, 1]} : vector<256x512xf32> to vector<256x256xf32>
    %add3A_1209 = arith.addf %dot_general3A_1207, %slice3A_1208 : vector<256x256xf32>
    %add3A_1210 = vector.broadcast %get3A_1103 : vector<1x256xf32> to vector<256x256xf32>
    %add3A_1211 = arith.addf %add3A_1209, %add3A_1210 : vector<256x256xf32>
    %get3A_1212 = arith.constant 512 : index
    %get3A_1213 = arith.constant 0 : index
    %get3A_1214 = vector.load %arg21[%get3A_1212, %get3A_1213] : memref<2048x256xf32, #tpu.memory_space<vmem>>, vector<256x256xf32>
    %add3A_1215 = arith.addf %add3A_1211, %get3A_1214 : vector<256x256xf32>
    %max3A_1216 = arith.constant 0.000000e+00 : f32
    %max3A_1217 = vector.broadcast %max3A_1216 : f32 to vector<256x256xf32>
    %max3A_1218 = arith.maximumf %add3A_1215, %max3A_1217 : vector<256x256xf32>
    %broadcast_in_dim3A_1219 = vector.shape_cast %get3A_15 : vector<256xf32> to vector<1x256xf32>
    %mul3A_1220 = vector.broadcast %broadcast_in_dim3A_1219 : vector<1x256xf32> to vector<256x256xf32>
    %mul3A_1221 = arith.mulf %max3A_1218, %mul3A_1220 : vector<256x256xf32>
    %reduce_sum3A_1222 = arith.constant dense<0.000000e+00> : vector<256xf32>
    %reduce_sum3A_1223 = vector.multi_reduction <add>, %mul3A_1221, %reduce_sum3A_1222 [1] : vector<256x256xf32> to vector<256xf32>
    %get3A_1224 = arith.constant 3 : index
    %get3A_1225 = arith.constant 0 : index
    %get3A_1226 = arith.constant 512 : index
    %get3A_1227 = vector.load %arg18[%get3A_1224, %get3A_1225, %get3A_1226] : memref<4x1x2048xf32, #tpu.memory_space<vmem>>, vector<1x1x256xf32>
    %get3A_1228 = vector.shape_cast %get3A_1227 : vector<1x1x256xf32> to vector<256xf32>
    %add3A_1229 = arith.addf %reduce_sum3A_1223, %get3A_1228 : vector<256xf32>
    %swap3A_1230 = arith.constant 3 : index
    %swap3A_1231 = arith.constant 0 : index
    %swap3A_1232 = arith.constant 512 : index
    %swap3A_1233 = vector.load %arg19[%swap3A_1230, %swap3A_1231, %swap3A_1232] : memref<4x1x2048xf32, #tpu.memory_space<vmem>>, vector<1x1x256xf32>
    %swap3A_1234 = vector.shape_cast %swap3A_1233 : vector<1x1x256xf32> to vector<256xf32>
    %swap3A_1235 = vector.shape_cast %add3A_1229 : vector<256xf32> to vector<1x1x256xf32>
    tpu.vector_store %arg19[%swap3A_1230, %swap3A_1231, %swap3A_1232], %swap3A_1235 {strides = array<i32>} : memref<4x1x2048xf32, #tpu.memory_space<vmem>>, vector<1x1x256xf32>,
    %get3A_1236 = arith.constant 3 : index
    %get3A_1237 = arith.constant 768 : index
    %get3A_1238 = arith.constant 0 : index
    %get3A_1239 = vector.load %arg2[%get3A_1236, %get3A_1237, %get3A_1238] : memref<4x2048x256xf32, #tpu.memory_space<vmem>>, vector<1x256x256xf32>
    %get3A_1240 = vector.shape_cast %get3A_1239 : vector<1x256x256xf32> to vector<256x256xf32>
    %get3A_1241 = arith.constant 768 : index
    %get3A_1242 = arith.constant 0 : index
    %get3A_1243 = vector.load %arg12[%get3A_1241, %get3A_1242] : memref<2048x256xf32, #tpu.memory_space<vmem>>, vector<256x256xf32>
    %dot_general3A_1244 = arith.constant dense<0.000000e+00> : vector<256x512xf32>
    %dot_general3A_1245 = tpu.matmul %get3A_1240, %get3A_10, %dot_general3A_1244 {dimension_numbers = #tpu.dot_dimension_numbers<[1], [0], [0], [1], [0, 0, 1, 1], [], []>, transpose_lhs_hint = false} : vector<256x256xf32>, vector<256x512xf32>, vector<256x512xf32> -> vector<256x512xf32>
    %slice3A_1246 = vector.extract_strided_slice %dot_general3A_1245 {offsets = [0, 0], sizes = [256, 256], strides = [1, 1]} : vector<256x512xf32> to vector<256x256xf32>
    %add3A_1247 = vector.broadcast %get3A_1100 : vector<1x256xf32> to vector<256x256xf32>
    %add3A_1248 = arith.addf %slice3A_1246, %add3A_1247 : vector<256x256xf32>
    %mul3A_1249 = arith.mulf %add3A_1248, %get3A_1243 : vector<256x256xf32>
    %dot_general3A_1250 = arith.constant dense<0.000000e+00> : vector<256x256xf32>
    %dot_general3A_1251 = tpu.matmul %mul3A_1249, %get3A_13, %dot_general3A_1250 {dimension_numbers = #tpu.dot_dimension_numbers<[1], [0], [0], [1], [0, 0, 1, 1], [], []>, transpose_lhs_hint = false} : vector<256x256xf32>, vector<256x256xf32>, vector<256x256xf32> -> vector<256x256xf32>
    %slice3A_1252 = vector.extract_strided_slice %dot_general3A_1245 {offsets = [0, 256], sizes = [256, 256], strides = [1, 1]} : vector<256x512xf32> to vector<256x256xf32>
    %add3A_1253 = arith.addf %dot_general3A_1251, %slice3A_1252 : vector<256x256xf32>
    %add3A_1254 = vector.broadcast %get3A_1103 : vector<1x256xf32> to vector<256x256xf32>
    %add3A_1255 = arith.addf %add3A_1253, %add3A_1254 : vector<256x256xf32>
    %get3A_1256 = arith.constant 768 : index
    %get3A_1257 = arith.constant 0 : index
    %get3A_1258 = vector.load %arg21[%get3A_1256, %get3A_1257] : memref<2048x256xf32, #tpu.memory_space<vmem>>, vector<256x256xf32>
    %add3A_1259 = arith.addf %add3A_1255, %get3A_1258 : vector<256x256xf32>
    %max3A_1260 = arith.constant 0.000000e+00 : f32
    %max3A_1261 = vector.broadcast %max3A_1260 : f32 to vector<256x256xf32>
    %max3A_1262 = arith.maximumf %add3A_1259, %max3A_1261 : vector<256x256xf32>
    %broadcast_in_dim3A_1263 = vector.shape_cast %get3A_15 : vector<256xf32> to vector<1x256xf32>
    %mul3A_1264 = vector.broadcast %broadcast_in_dim3A_1263 : vector<1x256xf32> to vector<256x256xf32>
    %mul3A_1265 = arith.mulf %max3A_1262, %mul3A_1264 : vector<256x256xf32>
    %reduce_sum3A_1266 = arith.constant dense<0.000000e+00> : vector<256xf32>
    %reduce_sum3A_1267 = vector.multi_reduction <add>, %mul3A_1265, %reduce_sum3A_1266 [1] : vector<256x256xf32> to vector<256xf32>
    %get3A_1268 = arith.constant 3 : index
    %get3A_1269 = arith.constant 0 : index
    %get3A_1270 = arith.constant 768 : index
    %get3A_1271 = vector.load %arg18[%get3A_1268, %get3A_1269, %get3A_1270] : memref<4x1x2048xf32, #tpu.memory_space<vmem>>, vector<1x1x256xf32>
    %get3A_1272 = vector.shape_cast %get3A_1271 : vector<1x1x256xf32> to vector<256xf32>
    %add3A_1273 = arith.addf %reduce_sum3A_1267, %get3A_1272 : vector<256xf32>
    %swap3A_1274 = arith.constant 3 : index
    %swap3A_1275 = arith.constant 0 : index
    %swap3A_1276 = arith.constant 768 : index
    %swap3A_1277 = vector.load %arg19[%swap3A_1274, %swap3A_1275, %swap3A_1276] : memref<4x1x2048xf32, #tpu.memory_space<vmem>>, vector<1x1x256xf32>
    %swap3A_1278 = vector.shape_cast %swap3A_1277 : vector<1x1x256xf32> to vector<256xf32>
    %swap3A_1279 = vector.shape_cast %add3A_1273 : vector<256xf32> to vector<1x1x256xf32>
    tpu.vector_store %arg19[%swap3A_1274, %swap3A_1275, %swap3A_1276], %swap3A_1279 {strides = array<i32>} : memref<4x1x2048xf32, #tpu.memory_space<vmem>>, vector<1x1x256xf32>,
    %get3A_1280 = arith.constant 3 : index
    %get3A_1281 = arith.constant 1024 : index
    %get3A_1282 = arith.constant 0 : index
    %get3A_1283 = vector.load %arg2[%get3A_1280, %get3A_1281, %get3A_1282] : memref<4x2048x256xf32, #tpu.memory_space<vmem>>, vector<1x256x256xf32>
    %get3A_1284 = vector.shape_cast %get3A_1283 : vector<1x256x256xf32> to vector<256x256xf32>
    %get3A_1285 = arith.constant 1024 : index
    %get3A_1286 = arith.constant 0 : index
    %get3A_1287 = vector.load %arg12[%get3A_1285, %get3A_1286] : memref<2048x256xf32, #tpu.memory_space<vmem>>, vector<256x256xf32>
    %dot_general3A_1288 = arith.constant dense<0.000000e+00> : vector<256x512xf32>
    %dot_general3A_1289 = tpu.matmul %get3A_1284, %get3A_10, %dot_general3A_1288 {dimension_numbers = #tpu.dot_dimension_numbers<[1], [0], [0], [1], [0, 0, 1, 1], [], []>, transpose_lhs_hint = false} : vector<256x256xf32>, vector<256x512xf32>, vector<256x512xf32> -> vector<256x512xf32>
    %slice3A_1290 = vector.extract_strided_slice %dot_general3A_1289 {offsets = [0, 0], sizes = [256, 256], strides = [1, 1]} : vector<256x512xf32> to vector<256x256xf32>
    %add3A_1291 = vector.broadcast %get3A_1100 : vector<1x256xf32> to vector<256x256xf32>
    %add3A_1292 = arith.addf %slice3A_1290, %add3A_1291 : vector<256x256xf32>
    %mul3A_1293 = arith.mulf %add3A_1292, %get3A_1287 : vector<256x256xf32>
    %dot_general3A_1294 = arith.constant dense<0.000000e+00> : vector<256x256xf32>
    %dot_general3A_1295 = tpu.matmul %mul3A_1293, %get3A_13, %dot_general3A_1294 {dimension_numbers = #tpu.dot_dimension_numbers<[1], [0], [0], [1], [0, 0, 1, 1], [], []>, transpose_lhs_hint = false} : vector<256x256xf32>, vector<256x256xf32>, vector<256x256xf32> -> vector<256x256xf32>
    %slice3A_1296 = vector.extract_strided_slice %dot_general3A_1289 {offsets = [0, 256], sizes = [256, 256], strides = [1, 1]} : vector<256x512xf32> to vector<256x256xf32>
    %add3A_1297 = arith.addf %dot_general3A_1295, %slice3A_1296 : vector<256x256xf32>
    %add3A_1298 = vector.broadcast %get3A_1103 : vector<1x256xf32> to vector<256x256xf32>
    %add3A_1299 = arith.addf %add3A_1297, %add3A_1298 : vector<256x256xf32>
    %get3A_1300 = arith.constant 1024 : index
    %get3A_1301 = arith.constant 0 : index
    %get3A_1302 = vector.load %arg21[%get3A_1300, %get3A_1301] : memref<2048x256xf32, #tpu.memory_space<vmem>>, vector<256x256xf32>
    %add3A_1303 = arith.addf %add3A_1299, %get3A_1302 : vector<256x256xf32>
    %max3A_1304 = arith.constant 0.000000e+00 : f32
    %max3A_1305 = vector.broadcast %max3A_1304 : f32 to vector<256x256xf32>
    %max3A_1306 = arith.maximumf %add3A_1303, %max3A_1305 : vector<256x256xf32>
    %broadcast_in_dim3A_1307 = vector.shape_cast %get3A_15 : vector<256xf32> to vector<1x256xf32>
    %mul3A_1308 = vector.broadcast %broadcast_in_dim3A_1307 : vector<1x256xf32> to vector<256x256xf32>
    %mul3A_1309 = arith.mulf %max3A_1306, %mul3A_1308 : vector<256x256xf32>
    %reduce_sum3A_1310 = arith.constant dense<0.000000e+00> : vector<256xf32>
    %reduce_sum3A_1311 = vector.multi_reduction <add>, %mul3A_1309, %reduce_sum3A_1310 [1] : vector<256x256xf32> to vector<256xf32>
    %get3A_1312 = arith.constant 3 : index
    %get3A_1313 = arith.constant 0 : index
    %get3A_1314 = arith.constant 1024 : index
    %get3A_1315 = vector.load %arg18[%get3A_1312, %get3A_1313, %get3A_1314] : memref<4x1x2048xf32, #tpu.memory_space<vmem>>, vector<1x1x256xf32>
    %get3A_1316 = vector.shape_cast %get3A_1315 : vector<1x1x256xf32> to vector<256xf32>
    %add3A_1317 = arith.addf %reduce_sum3A_1311, %get3A_1316 : vector<256xf32>
    %swap3A_1318 = arith.constant 3 : index
    %swap3A_1319 = arith.constant 0 : index
    %swap3A_1320 = arith.constant 1024 : index
    %swap3A_1321 = vector.load %arg19[%swap3A_1318, %swap3A_1319, %swap3A_1320] : memref<4x1x2048xf32, #tpu.memory_space<vmem>>, vector<1x1x256xf32>
    %swap3A_1322 = vector.shape_cast %swap3A_1321 : vector<1x1x256xf32> to vector<256xf32>
    %swap3A_1323 = vector.shape_cast %add3A_1317 : vector<256xf32> to vector<1x1x256xf32>
    tpu.vector_store %arg19[%swap3A_1318, %swap3A_1319, %swap3A_1320], %swap3A_1323 {strides = array<i32>} : memref<4x1x2048xf32, #tpu.memory_space<vmem>>, vector<1x1x256xf32>,
    %get3A_1324 = arith.constant 3 : index
    %get3A_1325 = arith.constant 1280 : index
    %get3A_1326 = arith.constant 0 : index
    %get3A_1327 = vector.load %arg2[%get3A_1324, %get3A_1325, %get3A_1326] : memref<4x2048x256xf32, #tpu.memory_space<vmem>>, vector<1x256x256xf32>
    %get3A_1328 = vector.shape_cast %get3A_1327 : vector<1x256x256xf32> to vector<256x256xf32>
    %get3A_1329 = arith.constant 1280 : index
    %get3A_1330 = arith.constant 0 : index
    %get3A_1331 = vector.load %arg12[%get3A_1329, %get3A_1330] : memref<2048x256xf32, #tpu.memory_space<vmem>>, vector<256x256xf32>
    %dot_general3A_1332 = arith.constant dense<0.000000e+00> : vector<256x512xf32>
    %dot_general3A_1333 = tpu.matmul %get3A_1328, %get3A_10, %dot_general3A_1332 {dimension_numbers = #tpu.dot_dimension_numbers<[1], [0], [0], [1], [0, 0, 1, 1], [], []>, transpose_lhs_hint = false} : vector<256x256xf32>, vector<256x512xf32>, vector<256x512xf32> -> vector<256x512xf32>
    %slice3A_1334 = vector.extract_strided_slice %dot_general3A_1333 {offsets = [0, 0], sizes = [256, 256], strides = [1, 1]} : vector<256x512xf32> to vector<256x256xf32>
    %add3A_1335 = vector.broadcast %get3A_1100 : vector<1x256xf32> to vector<256x256xf32>
    %add3A_1336 = arith.addf %slice3A_1334, %add3A_1335 : vector<256x256xf32>
    %mul3A_1337 = arith.mulf %add3A_1336, %get3A_1331 : vector<256x256xf32>
    %dot_general3A_1338 = arith.constant dense<0.000000e+00> : vector<256x256xf32>
    %dot_general3A_1339 = tpu.matmul %mul3A_1337, %get3A_13, %dot_general3A_1338 {dimension_numbers = #tpu.dot_dimension_numbers<[1], [0], [0], [1], [0, 0, 1, 1], [], []>, transpose_lhs_hint = false} : vector<256x256xf32>, vector<256x256xf32>, vector<256x256xf32> -> vector<256x256xf32>
    %slice3A_1340 = vector.extract_strided_slice %dot_general3A_1333 {offsets = [0, 256], sizes = [256, 256], strides = [1, 1]} : vector<256x512xf32> to vector<256x256xf32>
    %add3A_1341 = arith.addf %dot_general3A_1339, %slice3A_1340 : vector<256x256xf32>
    %add3A_1342 = vector.broadcast %get3A_1103 : vector<1x256xf32> to vector<256x256xf32>
    %add3A_1343 = arith.addf %add3A_1341, %add3A_1342 : vector<256x256xf32>
    %get3A_1344 = arith.constant 1280 : index
    %get3A_1345 = arith.constant 0 : index
    %get3A_1346 = vector.load %arg21[%get3A_1344, %get3A_1345] : memref<2048x256xf32, #tpu.memory_space<vmem>>, vector<256x256xf32>
    %add3A_1347 = arith.addf %add3A_1343, %get3A_1346 : vector<256x256xf32>
    %max3A_1348 = arith.constant 0.000000e+00 : f32
    %max3A_1349 = vector.broadcast %max3A_1348 : f32 to vector<256x256xf32>
    %max3A_1350 = arith.maximumf %add3A_1347, %max3A_1349 : vector<256x256xf32>
    %broadcast_in_dim3A_1351 = vector.shape_cast %get3A_15 : vector<256xf32> to vector<1x256xf32>
    %mul3A_1352 = vector.broadcast %broadcast_in_dim3A_1351 : vector<1x256xf32> to vector<256x256xf32>
    %mul3A_1353 = arith.mulf %max3A_1350, %mul3A_1352 : vector<256x256xf32>
    %reduce_sum3A_1354 = arith.constant dense<0.000000e+00> : vector<256xf32>
    %reduce_sum3A_1355 = vector.multi_reduction <add>, %mul3A_1353, %reduce_sum3A_1354 [1] : vector<256x256xf32> to vector<256xf32>
    %get3A_1356 = arith.constant 3 : index
    %get3A_1357 = arith.constant 0 : index
    %get3A_1358 = arith.constant 1280 : index
    %get3A_1359 = vector.load %arg18[%get3A_1356, %get3A_1357, %get3A_1358] : memref<4x1x2048xf32, #tpu.memory_space<vmem>>, vector<1x1x256xf32>
    %get3A_1360 = vector.shape_cast %get3A_1359 : vector<1x1x256xf32> to vector<256xf32>
    %add3A_1361 = arith.addf %reduce_sum3A_1355, %get3A_1360 : vector<256xf32>
    %swap3A_1362 = arith.constant 3 : index
    %swap3A_1363 = arith.constant 0 : index
    %swap3A_1364 = arith.constant 1280 : index
    %swap3A_1365 = vector.load %arg19[%swap3A_1362, %swap3A_1363, %swap3A_1364] : memref<4x1x2048xf32, #tpu.memory_space<vmem>>, vector<1x1x256xf32>
    %swap3A_1366 = vector.shape_cast %swap3A_1365 : vector<1x1x256xf32> to vector<256xf32>
    %swap3A_1367 = vector.shape_cast %add3A_1361 : vector<256xf32> to vector<1x1x256xf32>
    tpu.vector_store %arg19[%swap3A_1362, %swap3A_1363, %swap3A_1364], %swap3A_1367 {strides = array<i32>} : memref<4x1x2048xf32, #tpu.memory_space<vmem>>, vector<1x1x256xf32>,
    %get3A_1368 = arith.constant 3 : index
    %get3A_1369 = arith.constant 1536 : index
    %get3A_1370 = arith.constant 0 : index
    %get3A_1371 = vector.load %arg2[%get3A_1368, %get3A_1369, %get3A_1370] : memref<4x2048x256xf32, #tpu.memory_space<vmem>>, vector<1x256x256xf32>
    %get3A_1372 = vector.shape_cast %get3A_1371 : vector<1x256x256xf32> to vector<256x256xf32>
    %get3A_1373 = arith.constant 1536 : index
    %get3A_1374 = arith.constant 0 : index
    %get3A_1375 = vector.load %arg12[%get3A_1373, %get3A_1374] : memref<2048x256xf32, #tpu.memory_space<vmem>>, vector<256x256xf32>
    %dot_general3A_1376 = arith.constant dense<0.000000e+00> : vector<256x512xf32>
    %dot_general3A_1377 = tpu.matmul %get3A_1372, %get3A_10, %dot_general3A_1376 {dimension_numbers = #tpu.dot_dimension_numbers<[1], [0], [0], [1], [0, 0, 1, 1], [], []>, transpose_lhs_hint = false} : vector<256x256xf32>, vector<256x512xf32>, vector<256x512xf32> -> vector<256x512xf32>
    %slice3A_1378 = vector.extract_strided_slice %dot_general3A_1377 {offsets = [0, 0], sizes = [256, 256], strides = [1, 1]} : vector<256x512xf32> to vector<256x256xf32>
    %add3A_1379 = vector.broadcast %get3A_1100 : vector<1x256xf32> to vector<256x256xf32>
    %add3A_1380 = arith.addf %slice3A_1378, %add3A_1379 : vector<256x256xf32>
    %mul3A_1381 = arith.mulf %add3A_1380, %get3A_1375 : vector<256x256xf32>
    %dot_general3A_1382 = arith.constant dense<0.000000e+00> : vector<256x256xf32>
    %dot_general3A_1383 = tpu.matmul %mul3A_1381, %get3A_13, %dot_general3A_1382 {dimension_numbers = #tpu.dot_dimension_numbers<[1], [0], [0], [1], [0, 0, 1, 1], [], []>, transpose_lhs_hint = false} : vector<256x256xf32>, vector<256x256xf32>, vector<256x256xf32> -> vector<256x256xf32>
    %slice3A_1384 = vector.extract_strided_slice %dot_general3A_1377 {offsets = [0, 256], sizes = [256, 256], strides = [1, 1]} : vector<256x512xf32> to vector<256x256xf32>
    %add3A_1385 = arith.addf %dot_general3A_1383, %slice3A_1384 : vector<256x256xf32>
    %add3A_1386 = vector.broadcast %get3A_1103 : vector<1x256xf32> to vector<256x256xf32>
    %add3A_1387 = arith.addf %add3A_1385, %add3A_1386 : vector<256x256xf32>
    %get3A_1388 = arith.constant 1536 : index
    %get3A_1389 = arith.constant 0 : index
    %get3A_1390 = vector.load %arg21[%get3A_1388, %get3A_1389] : memref<2048x256xf32, #tpu.memory_space<vmem>>, vector<256x256xf32>
    %add3A_1391 = arith.addf %add3A_1387, %get3A_1390 : vector<256x256xf32>
    %max3A_1392 = arith.constant 0.000000e+00 : f32
    %max3A_1393 = vector.broadcast %max3A_1392 : f32 to vector<256x256xf32>
    %max3A_1394 = arith.maximumf %add3A_1391, %max3A_1393 : vector<256x256xf32>
    %broadcast_in_dim3A_1395 = vector.shape_cast %get3A_15 : vector<256xf32> to vector<1x256xf32>
    %mul3A_1396 = vector.broadcast %broadcast_in_dim3A_1395 : vector<1x256xf32> to vector<256x256xf32>
    %mul3A_1397 = arith.mulf %max3A_1394, %mul3A_1396 : vector<256x256xf32>
    %reduce_sum3A_1398 = arith.constant dense<0.000000e+00> : vector<256xf32>
    %reduce_sum3A_1399 = vector.multi_reduction <add>, %mul3A_1397, %reduce_sum3A_1398 [1] : vector<256x256xf32> to vector<256xf32>
    %get3A_1400 = arith.constant 3 : index
    %get3A_1401 = arith.constant 0 : index
    %get3A_1402 = arith.constant 1536 : index
    %get3A_1403 = vector.load %arg18[%get3A_1400, %get3A_1401, %get3A_1402] : memref<4x1x2048xf32, #tpu.memory_space<vmem>>, vector<1x1x256xf32>
    %get3A_1404 = vector.shape_cast %get3A_1403 : vector<1x1x256xf32> to vector<256xf32>
    %add3A_1405 = arith.addf %reduce_sum3A_1399, %get3A_1404 : vector<256xf32>
    %swap3A_1406 = arith.constant 3 : index
    %swap3A_1407 = arith.constant 0 : index
    %swap3A_1408 = arith.constant 1536 : index
    %swap3A_1409 = vector.load %arg19[%swap3A_1406, %swap3A_1407, %swap3A_1408] : memref<4x1x2048xf32, #tpu.memory_space<vmem>>, vector<1x1x256xf32>
    %swap3A_1410 = vector.shape_cast %swap3A_1409 : vector<1x1x256xf32> to vector<256xf32>
    %swap3A_1411 = vector.shape_cast %add3A_1405 : vector<256xf32> to vector<1x1x256xf32>
    tpu.vector_store %arg19[%swap3A_1406, %swap3A_1407, %swap3A_1408], %swap3A_1411 {strides = array<i32>} : memref<4x1x2048xf32, #tpu.memory_space<vmem>>, vector<1x1x256xf32>,
    %get3A_1412 = arith.constant 3 : index
    %get3A_1413 = arith.constant 1792 : index
    %get3A_1414 = arith.constant 0 : index
    %get3A_1415 = vector.load %arg2[%get3A_1412, %get3A_1413, %get3A_1414] : memref<4x2048x256xf32, #tpu.memory_space<vmem>>, vector<1x256x256xf32>
    %get3A_1416 = vector.shape_cast %get3A_1415 : vector<1x256x256xf32> to vector<256x256xf32>
    %get3A_1417 = arith.constant 1792 : index
    %get3A_1418 = arith.constant 0 : index
    %get3A_1419 = vector.load %arg12[%get3A_1417, %get3A_1418] : memref<2048x256xf32, #tpu.memory_space<vmem>>, vector<256x256xf32>
    %dot_general3A_1420 = arith.constant dense<0.000000e+00> : vector<256x512xf32>
    %dot_general3A_1421 = tpu.matmul %get3A_1416, %get3A_10, %dot_general3A_1420 {dimension_numbers = #tpu.dot_dimension_numbers<[1], [0], [0], [1], [0, 0, 1, 1], [], []>, transpose_lhs_hint = false} : vector<256x256xf32>, vector<256x512xf32>, vector<256x512xf32> -> vector<256x512xf32>
    %slice3A_1422 = vector.extract_strided_slice %dot_general3A_1421 {offsets = [0, 0], sizes = [256, 256], strides = [1, 1]} : vector<256x512xf32> to vector<256x256xf32>
    %add3A_1423 = vector.broadcast %get3A_1100 : vector<1x256xf32> to vector<256x256xf32>
    %add3A_1424 = arith.addf %slice3A_1422, %add3A_1423 : vector<256x256xf32>
    %mul3A_1425 = arith.mulf %add3A_1424, %get3A_1419 : vector<256x256xf32>
    %dot_general3A_1426 = arith.constant dense<0.000000e+00> : vector<256x256xf32>
    %dot_general3A_1427 = tpu.matmul %mul3A_1425, %get3A_13, %dot_general3A_1426 {dimension_numbers = #tpu.dot_dimension_numbers<[1], [0], [0], [1], [0, 0, 1, 1], [], []>, transpose_lhs_hint = false} : vector<256x256xf32>, vector<256x256xf32>, vector<256x256xf32> -> vector<256x256xf32>
    %slice3A_1428 = vector.extract_strided_slice %dot_general3A_1421 {offsets = [0, 256], sizes = [256, 256], strides = [1, 1]} : vector<256x512xf32> to vector<256x256xf32>
    %add3A_1429 = arith.addf %dot_general3A_1427, %slice3A_1428 : vector<256x256xf32>
    %add3A_1430 = vector.broadcast %get3A_1103 : vector<1x256xf32> to vector<256x256xf32>
    %add3A_1431 = arith.addf %add3A_1429, %add3A_1430 : vector<256x256xf32>
    %get3A_1432 = arith.constant 1792 : index
    %get3A_1433 = arith.constant 0 : index
    %get3A_1434 = vector.load %arg21[%get3A_1432, %get3A_1433] : memref<2048x256xf32, #tpu.memory_space<vmem>>, vector<256x256xf32>
    %add3A_1435 = arith.addf %add3A_1431, %get3A_1434 : vector<256x256xf32>
    %max3A_1436 = arith.constant 0.000000e+00 : f32
    %max3A_1437 = vector.broadcast %max3A_1436 : f32 to vector<256x256xf32>
    %max3A_1438 = arith.maximumf %add3A_1435, %max3A_1437 : vector<256x256xf32>
    %broadcast_in_dim3A_1439 = vector.shape_cast %get3A_15 : vector<256xf32> to vector<1x256xf32>
    %mul3A_1440 = vector.broadcast %broadcast_in_dim3A_1439 : vector<1x256xf32> to vector<256x256xf32>
    %mul3A_1441 = arith.mulf %max3A_1438, %mul3A_1440 : vector<256x256xf32>
    %reduce_sum3A_1442 = arith.constant dense<0.000000e+00> : vector<256xf32>
    %reduce_sum3A_1443 = vector.multi_reduction <add>, %mul3A_1441, %reduce_sum3A_1442 [1] : vector<256x256xf32> to vector<256xf32>
    %get3A_1444 = arith.constant 3 : index
    %get3A_1445 = arith.constant 0 : index
    %get3A_1446 = arith.constant 1792 : index
    %get3A_1447 = vector.load %arg18[%get3A_1444, %get3A_1445, %get3A_1446] : memref<4x1x2048xf32, #tpu.memory_space<vmem>>, vector<1x1x256xf32>
    %get3A_1448 = vector.shape_cast %get3A_1447 : vector<1x1x256xf32> to vector<256xf32>
    %add3A_1449 = arith.addf %reduce_sum3A_1443, %get3A_1448 : vector<256xf32>
    %swap3A_1450 = arith.constant 3 : index
    %swap3A_1451 = arith.constant 0 : index
    %swap3A_1452 = arith.constant 1792 : index
    %swap3A_1453 = vector.load %arg19[%swap3A_1450, %swap3A_1451, %swap3A_1452] : memref<4x1x2048xf32, #tpu.memory_space<vmem>>, vector<1x1x256xf32>
    %swap3A_1454 = vector.shape_cast %swap3A_1453 : vector<1x1x256xf32> to vector<256xf32>
    %swap3A_1455 = vector.shape_cast %add3A_1449 : vector<256xf32> to vector<1x1x256xf32>
    tpu.vector_store %arg19[%swap3A_1450, %swap3A_1451, %swap3A_1452], %swap3A_1455 {strides = array<i32>} : memref<4x1x2048xf32, #tpu.memory_space<vmem>>, vector<1x1x256xf32>,
    return
  }
  func.func @transform_0(%arg0: i32, %arg1: i32) -> (i32, i32, i32) {
    %c0_i32 = arith.constant 0 : i32
    %c0_i32_0 = arith.constant 0 : i32
    return %arg1, %arg0, %c0_i32 : i32, i32, i32
  }
  func.func @transform_1(%arg0: i32, %arg1: i32) -> (i32, i32) {
    %c0_i32 = arith.constant 0 : i32
    %c0_i32_0 = arith.constant 0 : i32
    %c0_i32_1 = arith.constant 0 : i32
    return %c0_i32, %c0_i32_0 : i32, i32
  }
  func.func @transform_2(%arg0: i32, %arg1: i32) -> i32 {
    %c0_i32 = arith.constant 0 : i32
    %c0_i32_0 = arith.constant 0 : i32
    return %c0_i32 : i32
  }
  func.func @transform_3(%arg0: i32, %arg1: i32) -> i32 {
    %c0_i32 = arith.constant 0 : i32
    %c0_i32_0 = arith.constant 0 : i32
    return %c0_i32 : i32
  }
  func.func @transform_4(%arg0: i32, %arg1: i32) -> i32 {
    %c0_i32 = arith.constant 0 : i32
    %c0_i32_0 = arith.constant 0 : i32
    return %c0_i32 : i32
  }
  func.func @transform_5(%arg0: i32, %arg1: i32) -> (i32, i32) {
    %c0_i32 = arith.constant 0 : i32
    %c0_i32_0 = arith.constant 0 : i32
    %c0_i32_1 = arith.constant 0 : i32
    return %c0_i32, %c0_i32_0 : i32, i32
  }
  func.func @transform_6(%arg0: i32, %arg1: i32) -> i32 {
    %c0_i32 = arith.constant 0 : i32
    %c0_i32_0 = arith.constant 0 : i32
    return %c0_i32 : i32
  }
  func.func @transform_7(%arg0: i32, %arg1: i32) -> (i32, i32) {
    %c0_i32 = arith.constant 0 : i32
    %c0_i32_0 = arith.constant 0 : i32
    %c0_i32_1 = arith.constant 0 : i32
    return %c0_i32, %c0_i32_0 : i32, i32
  }
  func.func @transform_8(%arg0: i32, %arg1: i32) -> i32 {
    %c0_i32 = arith.constant 0 : i32
    %c0_i32_0 = arith.constant 0 : i32
    return %c0_i32 : i32
  }
  func.func @transform_9(%arg0: i32, %arg1: i32) -> (i32, i32) {
    %c0_i32 = arith.constant 0 : i32
    %c0_i32_0 = arith.constant 0 : i32
    %c0_i32_1 = arith.constant 0 : i32
    return %c0_i32, %c0_i32_0 : i32, i32
  }
  func.func @transform_10(%arg0: i32, %arg1: i32) -> (i32, i32) {
    %c0_i32 = arith.constant 0 : i32
    %c0_i32_0 = arith.constant 0 : i32
    return %arg0, %c0_i32 : i32, i32
  }
  func.func @transform_11(%arg0: i32, %arg1: i32) -> (i32, i32) {
    %c0_i32 = arith.constant 0 : i32
    %c0_i32_0 = arith.constant 0 : i32
    %c0_i32_1 = arith.constant 0 : i32
    return %c0_i32, %c0_i32_0 : i32, i32
  }
  func.func @transform_12(%arg0: i32, %arg1: i32) -> (i32, i32) {
    %c0_i32 = arith.constant 0 : i32
    %c0_i32_0 = arith.constant 0 : i32
    %c0_i32_1 = arith.constant 0 : i32
    return %c0_i32, %c0_i32_0 : i32, i32
  }
  func.func @transform_13(%arg0: i32, %arg1: i32) -> (i32, i32) {
    %c0_i32 = arith.constant 0 : i32
    %c0_i32_0 = arith.constant 0 : i32
    %c0_i32_1 = arith.constant 0 : i32
    return %c0_i32, %c0_i32_0 : i32, i32
  }
  func.func @transform_14(%arg0: i32, %arg1: i32) -> i32 {
    %c0_i32 = arith.constant 0 : i32
    %c0_i32_0 = arith.constant 0 : i32
    return %c0_i32 : i32
  }
  func.func @transform_15(%arg0: i32, %arg1: i32) -> i32 {
    %c0_i32 = arith.constant 0 : i32
    %c0_i32_0 = arith.constant 0 : i32
    return %c0_i32 : i32
  }
  func.func @transform_16(%arg0: i32, %arg1: i32) -> (i32, i32, i32) {
    %c0_i32 = arith.constant 0 : i32
    %c0_i32_0 = arith.constant 0 : i32
    %c0_i32_1 = arith.constant 0 : i32
    return %arg1, %c0_i32, %c0_i32_0 : i32, i32, i32
  }
  func.func @transform_17(%arg0: i32, %arg1: i32) -> (i32, i32, i32) {
    %c0_i32 = arith.constant 0 : i32
    %c0_i32_0 = arith.constant 0 : i32
    %c0_i32_1 = arith.constant 0 : i32
    return %arg1, %c0_i32, %c0_i32_0 : i32, i32, i32
  }
}

</mosaic_0001>

<sc_bundles>
// kernel: kernel.4.cloned.1.call-start
scs
__scs_entry_jumppad:
0x0: {  	(pc) =	sbr.rel $0x88, $3  }
0x1: {  	(tag) =	ssettag $0x0;
	lr =	simm.s32 $0x1  }
0x2: {  	[smem:$0x3F94] =	sst lr;
	_ =	strace $0xD0000000  }
0x3: {  	_ = 	snop  }
0x4: {  	_ = 	snop  }
0x5: {  	_ = 	snop  }
0x6: {  	_ = 	snop  }
0x7: {  	_ = 	snop  }
__scs_overlays_trampoline_lowered:
0x8: {  	[smem:$0x3FA3] =	sst s0  }
0x9: {  	[smem:$0x3FA4] =	sst s1  }
0xa: {  	[smem:$0x3FA5] =	sst s2  }
0xb: {  	[smem:$0x3FA6] =	sst s3  }
0xc: {  	[smem:$0x3FA7] =	sst s4  }
0xd: {  	[smem:$0x3FA8] =	sst s5  }
0xe: {  	[smem:$0x3FA9] =	sst s6  }
0xf: {  	[smem:$0x3FAA] =	sst s7  }
0x10: {  	[smem:$0x3FAB] =	sst s8  }
0x11: {  	[smem:$0x3FAC] =	sst s9;
	s0 =	simm.s32 @!p0 $0x0  }
0x12: {  	s1 =	sld [smem:$0x3F92];
	s0 =	simm.s32 @p0 $0x1  }
0x13: {  	[smem:$0x3FAD] =	sst s0;
	s0 =	simm.s32 @!p1 $0x0  }
0x14: {  	s2 =	sld [smem:$0x3F91];
	s0 =	simm.s32 @p1 $0x1  }
0x15: {  	[smem:$0x3FAE] =	sst s0;
	s0 =	simm.s32 @!p2 $0x0  }
0x16: {  	s3 =	sld [smem:$0x3FDB];
	s0 =	simm.s32 @p2 $0x1  }
0x17: {  	s4 =	simm.s32 $0x1BF5;
	[smem:$0x3FB0] =	sst s0  }
0x18: {  	s0 =	sld [smem:$0x3F93];
	_ =	swait.ge [sflag:s4], $0x0  }
0x19: {  	s7 =	sld [smem:$0x3F94]  }
0x1a: {  	s8 =	sadd.s32 $0xFFFFE003, lr  }
0x1b: {  	s9 =	sadd.s32 $0xFFFFFEF7, lr;
	s5 =	simm.s32 $0xFFFFFFFF;
	p2 =	slt.u32 s8, $0xFFFFF086  }
0x1c: {  	p1 =	slt.u32 s9, $0xF7A;
	s5 =	simm.s32 @!p2 $0x0  }
0x1d: {  	s5 =	simm.s32 @p1 $0x1;
	p0 =	seq.s32 s7, s2  }
0x1e: {  	s7 =	smul.u32 @!p0 $0xF7A, s2;
	p2 =	seq.s32 @!p0 s5, $0x0  }
0x1f: {  	s9 =	smul.u32 $0xF7A, s1;
	s8 =	simm.s32 @!p0 $0x1BF5;
	p2 =	por !p2, p0  }
0x20: {  	[sflag:s8] =	ssyncset.s32 @!p0 $0xFFFFF086;
	s6 =	sadd.s32 @!p0 s3, s7;
	s7 =	simm.s32 @!p0 $0x108  }
0x21: {  	s3 =	sadd.s32 s3, s9;
	s6 =	sadd.s32 @!p0 $0x88, s6;
	s7 =	simm.s32 @p2 $0x1082  }
0x22: {  	[simem:s7], [sflag:s8] =	dma.local @!p0 [hbm:s6], $0xF7A  }
0x23: {  	s9 =	sor.u32 $0xD0000000, s2;
	s6 =	simm.s32 $0x108;
	_ =	swait.ge @!p0 [sflag:s8], $0x0  }
0x24: {  	s3 =	sadd.s32 $0x88, s3;
	s6 =	simm.s32 @!p1 $0x1082;
	[sflag:s4] =	ssyncset.s32 $0xFFFFF086  }
0x25: {  	[simem:s6], [sflag:s4] =	dma.local [hbm:s3], $0xF7A  }
0x26: {  	[smem:$0x3F94] =	sst s1;
	(tag) =	ssettag s2;
	_ =	strace s9  }
0x27: {  	s1 =	sld [smem:$0x3FA4]  }
0x28: {  	s2 =	sld [smem:$0x3FA5]  }
0x29: {  	s4 =	sld [smem:$0x3FA7]  }
0x2a: {  	p0 =	seq.s32 s5, $0x0;
	s5 =	sld [smem:$0x3FA8]  }
0x2b: {  	s6 =	sld [smem:$0x3FA9]  }
0x2c: {  	s7 =	sld [smem:$0x3FAA]  }
0x2d: {  	s3 =	simm.s32 $0x108;
	s8 =	sld [smem:$0x3FAB]  }
0x2e: {  	s3 =	simm.s32 @!p0 $0x1082;
	s9 =	sld [smem:$0x3FAC]  }
0x2f: {  	lr =	sadd.s32 s0, s3;
	s0 =	sld [smem:$0x3FA3]  }
0x30: {  	s3 =	sld [smem:$0x3FA6]  }
0x31: {  	[smem:$0x3FAF] =	sst s10  }
0x32: {  	s10 =	sld [smem:$0x3FAD];
	_ =	sdelay $0x3  }
0x33: {  	p0 =	seq.s32 s10, $0x1;
	s10 =	sld [smem:$0x3FAF];
	_ =	sdelay $0x3  }
0x34: {  	[smem:$0x3FAF] =	sst s10  }
0x35: {  	s10 =	sld [smem:$0x3FAE];
	_ =	sdelay $0x3  }
0x36: {  	p1 =	seq.s32 s10, $0x1;
	s10 =	sld [smem:$0x3FAF];
	_ =	sdelay $0x3  }
0x37: {  	[smem:$0x3FAF] =	sst s10  }
0x38: {  	s10 =	sld [smem:$0x3FB0]  }
0x39: {  	_ = 	snop;
	(pc) =	sbr.ind lr, $3  }
0x3a: {  	_ = 	snop  }
0x3b: {  	_ = 	snop  }
0x3c: {  	p2 =	seq.s32 s10, $0x1;
	s10 =	sld [smem:$0x3FAF]  }
0x3d: {  	_ =	shalt  }
0x3e: {  	_ =	shalt  }
0x3f: {  	_ =	shalt  }
0x40: {  	_ =	shalt  }
0x41: {  	_ =	shalt  }
0x42: {  	_ =	shalt  }
0x43: {  	_ =	shalt  }
0x44: {  	_ =	shalt  }
0x45: {  	_ =	shalt  }
0x46: {  	_ =	shalt  }
0x47: {  	_ =	shalt  }
0x48: {  	_ =	shalt  }
0x49: {  	_ =	shalt  }
0x4a: {  	_ =	shalt  }
0x4b: {  	_ =	shalt  }
0x4c: {  	_ =	shalt  }
0x4d: {  	_ =	shalt  }
0x4e: {  	_ =	shalt  }
0x4f: {  	_ =	shalt  }
0x50: {  	_ =	shalt  }
0x51: {  	_ =	shalt  }
0x52: {  	_ =	shalt  }
0x53: {  	_ =	shalt  }
0x54: {  	_ =	shalt  }
0x55: {  	_ =	shalt  }
0x56: {  	_ =	shalt  }
0x57: {  	_ =	shalt  }
0x58: {  	_ =	shalt  }
0x59: {  	_ =	shalt  }
0x5a: {  	_ =	shalt  }
0x5b: {  	_ =	shalt  }
0x5c: {  	_ =	shalt  }
0x5d: {  	_ =	shalt  }
0x5e: {  	_ =	shalt  }
0x5f: {  	_ =	shalt  }
0x60: {  	_ =	shalt  }
0x61: {  	_ =	shalt  }
0x62: {  	_ =	shalt  }
0x63: {  	_ =	shalt  }
0x64: {  	_ =	shalt  }
0x65: {  	_ =	shalt  }
0x66: {  	_ =	shalt  }
0x67: {  	_ =	shalt  }
0x68: {  	_ =	shalt  }
0x69: {  	_ =	shalt  }
0x6a: {  	_ =	shalt  }
0x6b: {  	_ =	shalt  }
0x6c: {  	_ =	shalt  }
0x6d: {  	_ =	shalt  }
0x6e: {  	_ =	shalt  }
0x6f: {  	_ =	shalt  }
0x70: {  	_ =	shalt  }
0x71: {  	_ =	shalt  }
0x72: {  	_ =	shalt  }
0x73: {  	_ =	shalt  }
0x74: {  	_ =	shalt  }
0x75: {  	_ =	shalt  }
0x76: {  	_ =	shalt  }
0x77: {  	_ =	shalt  }
0x78: {  	_ =	shalt  }
0x79: {  	_ =	shalt  }
0x7a: {  	_ =	shalt  }
0x7b: {  	_ =	shalt  }
0x7c: {  	_ =	shalt  }
0x7d: {  	_ =	shalt  }
0x7e: {  	_ =	shalt  }
0x7f: {  	_ =	shalt  }
0x80: {  	_ =	shalt  }
0x81: {  	_ =	shalt  }
0x82: {  	_ =	shalt  }
0x83: {  	_ =	shalt  }
0x84: {  	_ =	shalt  }
0x85: {  	_ =	shalt  }
0x86: {  	_ =	shalt  }
0x87: {  	_ =	shalt  }
.Lfunc_end0:
.L_simem_size_0:
called_computation_lowered:
.L_overlay_start_0:
0x88: {  	s2 =	sld [smem:$0x3FD9]  }
0x89: {  	s3 =	sld [smem:$0x3FFE];
	_ =	sdelay $0x1  }
0x8a: {  	s1 =	srdreg.scid  }
0x8b: {  	s0 =	sand.u32 $0x1, s1  }
0x8c: {  	s17 =	sshll.u32 s0, $0xA;
	s2 =	sadd.s32 s3, s2  }
0x8d: {  	s2 =	sadd.s32 s2, s17  }
0x8e: {  	[smem:$0x3FBB] =	sst s2  }
0x8f: {  	_ = 	snop  }
0x90: {  	s2 =	sld [smem:$0x3FD0];
	(tm) =	ssettm $0x1  }
0x91: {  	s18 =	sld [smem:$0x3FFB];
	_ =	sdelay $0x3  }
0x92: {  	_ =	strace s18  }
0x93: {  	s3 =	sld [smem:$0x3FFC];
	_ =	sdelay $0x3  }
0x94: {  	_ =	strace s3  }
0x95: {  	s3 =	sld [smem:$0x3FFD];
	_ =	sdelay $0x3  }
0x96: {  	_ =	strace s3  }
0x97: {  	_ =	strace $0x8FFFFFFF  }
0x98: {  	s19 =	sld [smem:$0x3FDB];
	_ =	sdelay $0x1  }
0x99: {  	s4 =	simm.s32 $_scs_section_size  }
0x9a: {  	s5 =	simm.s32 $_size__tile_overlayer_lowered;
	s6 =	simm.s32 $_tile_overlayer_lowered  }
0x9b: {  	s22 =	simm.s32 $0x1BFF;
	s21 =	sshll.u32 s6, $0x1;
	s3 =	sadd.s32 s4, s19  }
0x9c: {  	s7 =	simm.s32 $0x0;
	s20 =	sshll.u32 s5, $0x1;
	s5 =	sadd.s32 s21, s3  }
0x9d: {  	[timem:s7], [sflag:s22] =	dma.local [hbm:s5], s20  }
0x9e: {  	_ =	swait.ge [sflag:s22], s20  }
0x9f: {  	s4 =	ssub.s32 $0x0, s20;
	[sflag:s22] =	ssyncset.done $0x0  }
0xa0: {  	[sflag:s22] =	ssyncadd.s32 s4;
	_ =	sdelay $0x1  }
0xa1: {  	s23 =	simm.s32 $0x1B8B  }
0xa2: {  	_ =	swait.ge [sflag:s23], $0x1  }
0xa3: {  	[sflag:s23] =	ssyncset.done $0x0  }
0xa4: {  	s25 =	simm.s32 $0x1B8E;
	s24 =	sld [smem:$0x3FFE];
	[sflag:s23] =	ssyncadd.s32 $0xFFFFFFFF  }
0xa5: {  	s26 =	simm.s32 $execute0_lowered;
	[smem:$0x3FD2] =	sst s25  }
0xa6: {  	s5 =	sshll.u32 s26, $0x1;
	_ =	strace $0x80000046;
	[dreg:$0x1] =	wrdreg $0xFFFFFFFF  }
0xa7: {  	s28 =	simm.s32 $_size_execute0_lowered;
	s3 =	sadd.s32 s3, s5;
	[dreg:$0x0] =	wrdreg $0x0  }
0xa8: {  	s5 =	sshll.u32 s28, $0x1;
	[dreg:$0x2] =	wrdreg s3  }
0xa9: {  	[dreg:$0x3] =	wrdreg s5  }
0xaa: {  	[dreg:$0x4] =	wrdreg $0xC0  }
0xab: {  	_ =	task [dreg:s7], $0x5FFFF  }
0xac: {  	[dreg:$0x1] =	wrdreg $0xFFFFFFFF  }
0xad: {  	[dreg:$0x0] =	wrdreg $0x60  }
0xae: {  	[dreg:$0x2] =	wrdreg s24  }
0xaf: {  	[dreg:$0x3] =	wrdreg s2  }
0xb0: {  	[dreg:$0x4] =	wrdreg $0x9  }
0xb1: {  	_ =	task.clear_ibuf [dreg:s7], $0x5FFFF;
	_ =	strace $0x90000046  }
0xb2: {  	s29 =	simm.s32 $0x9;
	_ =	strace $0x80000048  }
0xb3: {  	_ =	swait.ge [sflag:s29], $0x1  }
0xb4: {  	[sflag:s29] =	ssyncadd.s32 $0xFFFFFFFF  }
0xb5: {  	_ =	strace $0x90000048  }
0xb6: {  	_ =	sfence  }
0xb7: {  	s30 =	sld [smem:$0x0];
	_ =	sdelay $0x2  }
0xb8: {  	s31 =	sshll.u32 s1, $0xD;
	s1 =	sshrl.u32 s1, $0x2  }
0xb9: {  	s3 =	sand.u32 $0x4000, s31;
	s1 =	sadd.s32 s1, s30  }
0xba: {  	s0 =	sor.u32 s3, s0;
	s1 =	sshll.u32 s1, $0x11  }
0xbb: {  	s0 =	sor.u32 s1, s0  }
0xbc: {  	s0 =	sadd.s32 $0x8F2B, s0  }
0xbd: {  	[sflag:s0] =	ssyncadd.remote.s32 $0x1  }
0xbe: {  	_ =	sfence.sel $0xFFFF  }
0xbf: {  	[dreg:$0x0] =	wrdreg $0xFFFFFFFF;
	(pc) =	sbr.abs _section_cstart, $3  }
0xc0: {  	[dreg:$0x1] =	wrdreg $0xFFFFFFFF  }
0xc1: {  	_ =	task.clear_ibuf [dreg:s7], $0x2FFFF;
	_ =	strace $0x9FFFFFFF  }
0xc2: {  	(tm) =	ssettm $0x7FFFFFFF  }
0xc3: {  	_ =	shalt  }
tec
execute0_lowered:
.L_overlay_start_1:
0x0: {  	(tag) =	ssettag $0x1  }
0x1: {  	s1 =	srdreg.scid  }
0x2: {  	s1 =	sand.u32 $0x1, s1  }
0x3: {  	p0 =	seq.s32 s1, $0x1  }
.Ltmp0:
0x4: {  	_ = 	snop;
	(pc) =	sbr.rel @p0 .LBB2_4-.Ltmp0, $4  }
0x5: {  	s4 =	rddreg [dreg:$0x0]  }
0x6: {  	s2 =	rddreg [dreg:$0x1];
	s3 =	simm.s32 $0x0  }
0x7: {  	[smem:$0x7FF] =	sst s3  }
0x8: {  	s0 =	rddreg [dreg:$0x2];
	_ =	strace $0x80000047;
	s1 =	stileid.u32  }
0x9: {  	s5 =	sshrl.u32 s1, $0x3;
	s6 =	sshll.u32 s1, $0x7  }
0xa: {  	s6 =	sand.u32 $0x380, s6;
	s7 =	sshll.u32 s5, $0xE  }
0xb: {  	s7 =	sor.u32 s6, s7  }
0xc: {  	s4 =	sadd.s32 $0x1800, s4;
	s21 =	simm.s32 $0x80;
	s7 =	sshrl.u32 s7, $0x3  }
0xd: {  	s8 =	simm.s32 $0x400;
	s22 =	simm.s32 $0x1;
	s4 =	sadd.s32 s4, s7  }
0xe: {  	[tilespmem:s3], [sflag:$0x1] =	stream.strided.gather [hbm4b:s4+s21], $0x800, s8, s21, $0x38;
	[tilespmem:$0x880] =	vst v63  }
0xf: {  	_ =	swait.ge [sflag:s22], $0x800  }
0x10: {  	[sflag:s22] =	ssyncset.done $0x0  }
0x11: {  	s23 =	simm.s32 $0x10;
	[sflag:s22] =	ssyncadd.s32 $0xFFFFF800  }
0x12: {  	v1 =	vld [tilespmem:s23+$0xFFFFFFF0]  }
0x13: {  	v2 =	vld [tilespmem:s23+$0x0];
	_ =	sdelay $0x1  }
0x14: {  	v0 =	vlaneseq.u32  }
0x15: {  	s25 =	simm.s32 $0x10;
	v4 =	vor.u32 s3, v0  }
0x16: {  	v6 =	vor.u32 s25, v0;
	(xrf1) =	vsort.dscd.msk.f32 $0xffff, v1, v4  }
0x17: {  	(xrf1) =	vsort.dscd.msk.f32 $0xffff, v2, v6;
	_ =	sdelay $0x5  }
0x18: {  	s24 =	simm.s32 $0x30  }
0x19: {  	v3 =	vld [tilespmem:s24+$0xFFFFFFF0]  }
0x1a: {  	v5 =	vld [tilespmem:s24+$0x0]  }
0x1b: {  	s28 =	simm.s32 $0x30  }
0x1c: {  	s26 =	simm.s32 $0x20;
	v2 =	vor.u32 s28, v0  }
0x1d: {  	v1 =	vor.u32 s26, v0  }
0x1e: {  	(xrf1) =	vsort.dscd.msk.f32 $0xffff, v3, v1  }
0x1f: {  	v1 =	vimm.f32 $-3.000000010e+38;
	(xrf1) =	vsort.dscd.msk.f32 $0xffff, v5, v2;
	v2, v3, _ =	vpop (xrf1)  }
0x20: {  	v4 =	vimm.s32 $0x0;
	v5, v6, _ =	vpop (xrf1);
	vm0 =	vge.f32 v1, v2  }
0x21: {  	vm1 =	vge.f32 v1, v5;
	v2 =	vsel vm0, v1, v2;
	v3 =	vsel vm0, v4, v3  }
0x22: {  	v7 =	vsel vm1, v1, v5;
	v4 =	vsel vm1, v4, v6;
	(xrf1) =	vsort.ascd.msk.f32 $0xffff, v2, v3  }
0x23: {  	(xrf1) =	vsort.ascd.msk.f32 $0xffff, v7, v4;
	_ =	sdelay $0x6  }
0x24: {  	s3 =	simm.s32 $0x50  }
0x25: {  	v5 =	vld [tilespmem:s3+$0xFFFFFFF0]  }
0x26: {  	s29 =	sshll.u32 s5, $0xA;
	v6 =	vld [tilespmem:s3+$0x0]  }
0x27: {  	s30 =	sor.u32 s6, s29  }
0x28: {  	s31 =	simm.s32 $0x40;
	s4 =	sshrl.u32 s30, $0x3;
	v3, v1, _ =	vpop (xrf1)  }
0x29: {  	s5 =	simm.s32 $0x50;
	s2 =	sadd.s32 s2, s4;
	s4 =	simm.s32 $0x60;
	v7 =	vor.u32 s31, v0;
	v4, v2, _ =	vpop (xrf1)  }
.LBB2_2:
0x2a: {  	p0 =	sne.s32 s4, $0x7E0;
	v9 =	vor.u32 s5, v0;
	(xrf1) =	vsort.dscd.msk.f32 $0xffff, v5, v7;
	v5, v7, _ =	vpop (xrf1)  }
0x2b: {  	(xrf1) =	vsort.dscd.msk.f32 $0xffff, v6, v9;
	vm0 =	vge.f32 v5, v3;
	v6, v8, _ =	vpop (xrf1)  }
0x2c: {  	vm1 =	vge.f32 v6, v4;
	v3 =	vsel vm0, v5, v3;
	v1 =	vsel vm0, v7, v1  }
0x2d: {  	v4 =	vsel vm1, v6, v4;
	v2 =	vsel vm1, v8, v2;
	(xrf1) =	vsort.ascd.msk.f32 $0xffff, v3, v1  }
0x2e: {  	(xrf1) =	vsort.ascd.msk.f32 $0xffff, v4, v2;
	_ =	sdelay $0x6  }
0x2f: {  	s3 =	sadd.s32 $0x20, s3  }
.Ltmp1:
0x30: {  	v5 =	vld [tilespmem:s3+$0xFFFFFFF0];
	(pc) =	sbr.rel @p0 .LBB2_2-.Ltmp1, $4  }
0x31: {  	v6 =	vld [tilespmem:s3+$0x0]  }
0x32: {  	v3, v1, _ =	vpop (xrf1)  }
0x33: {  	v4, v2, _ =	vpop (xrf1)  }
0x34: {  	s5 =	sadd.s32 $0x10, s4;
	v7 =	vor.u32 s4, v0;
	s4 =	sadd.s32 $0x20, s4  }
0x35: {  	v0 =	vor.u32 s5, v0;
	_ =	sdelay $0x1  }
0x36: {  	(xrf1) =	vsort.dscd.msk.f32 $0xffff, v5, v7;
	v5, v7, _ =	vpop (xrf1)  }
0x37: {  	(xrf1) =	vsort.dscd.msk.f32 $0xffff, v6, v0;
	vm0 =	vge.f32 v5, v3;
	v0, v6, _ =	vpop (xrf1)  }
0x38: {  	v3 =	vsel vm0, v5, v3;
	v1 =	vsel vm0, v7, v1;
	vm1 =	vge.f32 v0, v4  }
0x39: {  	(xrf1) =	vsort.ascd.msk.f32 $0xffff, v3, v1;
	v0 =	vsel vm1, v0, v4;
	v2 =	vsel vm1, v6, v2  }
0x3a: {  	(xrf1) =	vsort.ascd.msk.f32 $0xffff, v0, v2;
	_ =	sdelay $0xa  }
0x3b: {  	v57, v56, _ =	vpop (xrf1)  }
0x3c: {  	v59, v58, _ =	vpop (xrf1)  }
0x3d: {  	v61, v60, _ =	vpop (xrf1)  }
0x3e: {  	vm13 =	vge.f32 v61, v57;
	v63, v62, _ =	vpop (xrf1)  }
0x3f: {  	v0 =	vsel vm13, v61, v57;
	v1 =	vsel vm13, v60, v56;
	vm14 =	vge.f32 v63, v59  }
0x40: {  	(xrf1) =	vsort.ascd.msk.f32 $0xffff, v0, v1;
	v2 =	vsel vm14, v63, v59;
	v3 =	vsel vm14, v62, v58  }
0x41: {  	(xrf1) =	vsort.ascd.msk.f32 $0xffff, v2, v3;
	_ =	sdelay $0xc  }
0x42: {  	v0, v1, _ =	vpop (xrf1)  }
0x43: {  	v2, v3, _ =	vpop (xrf1)  }
0x44: {  	(xrf1) =	vsort.dscd.msk.f32 $0xffff, v2, v3;
	_ =	sdelay $0xd  }
0x45: {  	v2, v3, _ =	vpop (xrf1)  }
0x46: {  	vm15 =	vge.f32 v0, v2  }
0x47: {  	v0 =	vsel vm15, v1, v3  }
0x48: {  	v1 =	vxor.u32 $0x80000000, v0  }
0x49: {  	(xrf1) =	vsort.ascd.msk.u32 $0xffff, v1, v0;
	_ =	sdelay $0xd  }
0x4a: {  	v0, _, _ =	vpop (xrf1)  }
0x4b: {  	v0 =	vxor.u32 $0x80000000, v0  }
0x4c: {  	s3 =	simm.s32 $0x0;
	s4 =	simm.s32 $0x800;
	s31 =	simm.s32 $0x1;
	[tilespmem:$0x800] =	vst v0  }
0x4d: {  	[hbm4b:s2+s3] =	stream.linear.scatter [tilespmem:s4], [sflag:$0x1], $0x80, $0x38;
	[tilespmem:$0x880] =	vst v63  }
0x4e: {  	_ =	swait.ge [sflag:s31], $0x80  }
0x4f: {  	[sflag:s31] =	ssyncset.done $0x0  }
0x50: {  	[sflag:s31] =	ssyncadd.s32 $0xFFFFFF80  }
.LBB2_4:
0x51: {  	_ =	sfence.sel $0x180000  }
0x52: {  	[bflag:$0x0] =	sbarrier.arrive $0xFFFF  }
0x53: {  	p0 =	sne.s32 s1, $0x0;
	_ =	strace $0x90000047  }
0x54: {  	s0 =	sadd.s32 @!p0 $0x100000, s0;
	[bflag:$0x2] =	sbarrier.arrive $0xFFFF  }
0x55: {  	[sflag:s0] =	ssyncadd.tile.s32 @!p0 $0x1;
	_ =	shalt  }
.Lfunc_end2:
_tile_overlayer_lowered:
.L_overlay_start_2:
0x56: {  	(tag) =	ssettag $0x2  }
0x57: {  	s0 =	rddreg [dreg:$0x0];
	s2 =	stileid.u32  }
0x58: {  	s1 =	rddreg [dreg:$0x1];
	p0 =	sne.s32 s2, $0x0  }
0x59: {  	s3 =	rddreg [dreg:$0x2];
	[bflag:$0x3] =	sbarrier.arrive $0xFFFF;
	s2 =	simm.s32 @!p0 $0x1C01  }
0x5a: {  	[timem:s3], [sflag:s2] =	dma.local @!p0 [hbm:s0], s1  }
0x5b: {  	s0 =	simm.s32 @!p0 $0x1  }
0x5c: {  	_ =	swait.ge @!p0 [sflag:s0], s1  }
0x5d: {  	s1 =	ssub.s32 @!p0 $0x0, s1;
	[sflag:s0] =	ssyncset.done @!p0 $0x0  }
0x5e: {  	[sflag:s0] =	ssyncadd.s32 @!p0 s1  }
0x5f: {  	[bflag:$0x3] =	sbarrier.arrive $0xFFFF  }
0x60: {  	_ =	shalt  }

</sc_bundles>
